<compile_context>
chip_gen: v7x
topology: tpu7x:2x2x1
jax: 0.10.2.dev20260603
libtpu: 0.0.44.dev20260713+nightly
codegen_flags: <defaults>
</compile_context>

<pallas_src>
import functools

import jax
import jax.numpy as jnp
from jax import lax
from jax.experimental import pallas as pl
from jax.experimental.pallas import tpu as pltpu
from jax.experimental.pallas import tpu_sc as plsc

KNN = 16
LANES = 16
NUM_CORES = 2
NUM_SUBCORES = 16
NUM_WORKERS = NUM_CORES * NUM_SUBCORES
NUM_G = 8
BIGF = 1e10
CHUNK = 4


def _knn_sc(n):
  per_w = n // NUM_WORKERS
  mesh = plsc.VectorSubcoreMesh(
      core_axis_name="c", subcore_axis_name="s",
      num_cores=NUM_CORES, num_subcores=NUM_SUBCORES)

  @functools.partial(
      pl.kernel,
      out_type=jax.ShapeDtypeStruct((n, KNN), jnp.int32),
      mesh=mesh,
      scratch_types=[
          pltpu.VMEM((n,), jnp.float32),
          pltpu.VMEM((n,), jnp.float32),
          pltpu.VMEM((n,), jnp.float32),
          pltpu.VMEM((n + 64,), jnp.float32),
          pltpu.VMEM((n + 64,), jnp.float32),
          pltpu.VMEM((n + 64,), jnp.float32),
          pltpu.VMEM((n + 64,), jnp.float32),
          pltpu.VMEM((n,), jnp.int32),
          pltpu.VMEM((LANES,), jnp.int32),
          pltpu.VMEM((per_w, KNN), jnp.int32),
      ],
      compiler_params=pltpu.CompilerParams(needs_layout_passes=False),
  )
  def body(x_hbm, y_hbm, z_hbm, g_hbm, bounds_hbm,
           out_hbm, xv, yv, zv, xbv, ybv, zbv, sqv, gv, bndv, outv):
    wid = lax.axis_index("s") * NUM_CORES + lax.axis_index("c")
    base_q = wid * per_w

    pltpu.sync_copy(x_hbm, xv)
    pltpu.sync_copy(y_hbm, yv)
    pltpu.sync_copy(z_hbm, zv)
    pltpu.sync_copy(g_hbm, gv)
    pltpu.sync_copy(bounds_hbm, bndv)

    def bf16_round(v):
      u = lax.bitcast_convert_type(v, jnp.int32)
      lsb = lax.shift_right_logical(u, jnp.int32(16)) & jnp.int32(1)
      r = (u + jnp.int32(0x7FFF) + lsb) & jnp.int32(-65536)
      return lax.bitcast_convert_type(r, jnp.float32)

    def sq_step(i, _):
      b = i * LANES
      cx = xv[pl.ds(b, LANES)]
      cy = yv[pl.ds(b, LANES)]
      cz = zv[pl.ds(b, LANES)]
      sqv[pl.ds(b, LANES)] = (cx * cx + cy * cy) + cz * cz
      xbv[pl.ds(b, LANES)] = bf16_round(cx)
      ybv[pl.ds(b, LANES)] = bf16_round(cy)
      zbv[pl.ds(b, LANES)] = bf16_round(cz)
      return jnp.int32(0)

    lax.fori_loop(jnp.int32(0), jnp.int32(n // LANES), sq_step, jnp.int32(0))

    iota = lax.iota(jnp.int32, LANES)

    def per_query(qi, _):
      q = base_q + qi
      qsplat = jnp.full((LANES,), q, dtype=jnp.int32)
      gq = plsc.load_gather(gv, [qsplat])
      svec = plsc.load_gather(bndv, [gq])
      evec = plsc.load_gather(bndv, [gq + 1])
      s = jnp.max(svec)
      e = jnp.max(evec)
      qxb = plsc.load_gather(xbv, [qsplat])
      qyb = plsc.load_gather(ybv, [qsplat])
      qzb = plsc.load_gather(zbv, [qsplat])
      qsq = plsc.load_gather(sqv, [qsplat])

      j0 = lax.div(s, jnp.int32(LANES))
      j1 = lax.div(e + jnp.int32(LANES - 1), jnp.int32(LANES))
      nch = lax.div(j1 - j0 + jnp.int32(CHUNK - 1), jnp.int32(CHUNK))

      def chunk(t, carry):
        dists = []
        for u in range(CHUNK):
          cbase = (j0 + t * CHUNK + u) * LANES
          cxb = xbv[pl.ds(cbase, LANES)]
          cyb = ybv[pl.ds(cbase, LANES)]
          czb = zbv[pl.ds(cbase, LANES)]
          csq = sqv[pl.ds(cbase, LANES)]
          prod = (qxb * cxb + qyb * cyb) + qzb * czb
          dist = (qsq + csq) - 2.0 * prod
          cidx = iota + cbase
          valid = (cidx >= s) & (cidx < e) & (cidx != q)
          dist = jnp.where(valid, dist, jnp.float32(BIGF))
          dists.append((dist, cidx))
        m = jnp.minimum(jnp.minimum(dists[0][0], dists[1][0]),
                        jnp.minimum(dists[2][0], dists[3][0]))
        cmin = jnp.min(m)

        def do_chunk(op):
          def merge1(dist, cidx):
            def m_fn(op2):
              rv, ri, _ = op2
              cv, ci = plsc.sort_key_val(dist, cidx, descending=True)
              take = cv < rv
              mv = jnp.where(take, cv, rv)
              mi = jnp.where(take, ci, ri)
              mv, mi = plsc.sort_key_val(mv, mi, descending=False)
              return mv, mi, jnp.max(mv)
            return m_fn

          for u in range(CHUNK):
            dist, cidx = dists[u]
            dmin = jnp.min(dist)
            op = lax.cond(dmin < op[2], merge1(dist, cidx),
                          lambda o: o, op)
          return op

        return lax.cond(cmin < carry[2], do_chunk, lambda o: o, carry)

      rinit_v = jnp.full((LANES,), 3e38, jnp.float32)
      rinit_i = jnp.zeros((LANES,), jnp.int32)
      _, ri, _ = lax.fori_loop(
          jnp.int32(0), nch, chunk,
          (rinit_v, rinit_i, jnp.float32(3e38)))
      outv[qi, :] = ri
      return jnp.int32(0)

    lax.fori_loop(jnp.int32(0), jnp.int32(per_w), per_query, jnp.int32(0))
    pltpu.sync_copy(outv, out_hbm.at[pl.ds(base_q, per_w)])

  return body


@jax.jit
def kernel(pos, batch):
  n = pos.shape[0]
  pos32 = pos.astype(jnp.float32)
  x = pos32[:, 0]
  y = pos32[:, 1]
  z = pos32[:, 2]
  g = batch.astype(jnp.int32)
  bounds = jnp.searchsorted(g, jnp.arange(NUM_G + 1, dtype=jnp.int32))
  bounds = jnp.concatenate(
      [bounds.astype(jnp.int32),
       jnp.full((LANES - NUM_G - 1,), n, dtype=jnp.int32)])
  idx = _knn_sc(n)(x, y, z, g, bounds)
  row = idx.reshape(-1).astype(jnp.int64)
  col = jnp.repeat(jnp.arange(n, dtype=jnp.int64), KNN)
  return jnp.stack([row, col], axis=0)

# --- scband reference (transcript-rebuilt; emitter-appended) ---
"""Pipeline reference for scband-k-nnlayer-82454782148637 (READ-ONLY COPY).

The authoritative reference and input builder live on the scoring server;
editing this copy changes nothing except your own understanding.
"""

import jax, jax.numpy as jnp
import numpy as np
jax.config.update("jax_enable_x64", True)

K = 16
N = 8192
NUM_GRAPHS = 8
BIG = jnp.float32(1e10)


def setup_inputs(seed: int = 0) -> dict:
    key = jax.random.key(seed)
    k1, k2 = jax.random.split(key)
    pos = jax.random.normal(k1, (N, 3), dtype=jnp.float32)
    batch = jnp.sort(jax.random.randint(k2, (N,), 0, NUM_GRAPHS, dtype=jnp.int64))
    return {"pos": pos, "batch": batch}


def reference(pos, batch):
    # Faithful knn_graph(pos, k=K, batch=batch, loop=False):
    # for every node, find its K nearest neighbors restricted to the same
    # graph in the batch, excluding self-loops.
    n = pos.shape[0]
    sq = jnp.sum(pos * pos, axis=1)
    dist2 = sq[:, None] + sq[None, :] - 2.0 * (pos @ pos.T)
    same = batch[:, None] == batch[None, :]
    masked = jnp.where(same, dist2, BIG)
    masked = masked + jnp.eye(n, dtype=masked.dtype) * BIG  # loop=False
    _, idx = jax.lax.top_k(-masked, K)  # K nearest per row
    row = idx.reshape(-1).astype(jnp.int64)          # neighbor (source) nodes
    col = jnp.repeat(jnp.arange(n, dtype=jnp.int64), K)  # center (target) nodes
    edge_index = jnp.stack([row, col], axis=0)  # flow='source_to_target'
    return edge_index

if __name__ == "__main__":
    import jax
    _d = setup_inputs()
    print(jax.jit(kernel)(*tuple(_d.values())))

</pallas_src>

<mosaic_0001>
#map = affine_map<(d0, d1) -> (0)>
#map1 = affine_map<(d0, d1) -> (0, 0)>
module attributes {stable_mosaic.version = 14 : i64} {
  func.func @body(%arg0: i32, %arg1: i32, %arg2: memref<8192xf32, #tpu.memory_space<hbm>>, %arg3: memref<8192xf32, #tpu.memory_space<hbm>>, %arg4: memref<8192xf32, #tpu.memory_space<hbm>>, %arg5: memref<8192xi32, #tpu.memory_space<hbm>>, %arg6: memref<16xi32, #tpu.memory_space<hbm>>, %arg7: memref<8192x16xi32, #tpu.memory_space<hbm>>, %arg8: memref<8192xf32, #tpu.memory_space<vmem>>, %arg9: memref<8192xf32, #tpu.memory_space<vmem>>, %arg10: memref<8192xf32, #tpu.memory_space<vmem>>, %arg11: memref<8256xf32, #tpu.memory_space<vmem>>, %arg12: memref<8256xf32, #tpu.memory_space<vmem>>, %arg13: memref<8256xf32, #tpu.memory_space<vmem>>, %arg14: memref<8256xf32, #tpu.memory_space<vmem>>, %arg15: memref<8192xi32, #tpu.memory_space<vmem>>, %arg16: memref<16xi32, #tpu.memory_space<vmem>>, %arg17: memref<256x16xi32, #tpu.memory_space<vmem>>) attributes {dimension_semantics = [#tpu.dimension_semantics<core_parallel>, #tpu.dimension_semantics<subcore_parallel>], iteration_bounds = array<i64: 2, 16>, scalar_prefetch = 0 : i64, scratch_operands = 10 : i64, tpu.core_type = #tpu.core_type<sc_vector_subcore>, window_params = [{transform_indices = #map}, {transform_indices = #map}, {transform_indices = #map}, {transform_indices = #map}, {transform_indices = #map}, {transform_indices = #map1}]} {
    %mul3A = arith.constant 2 : i32
    %mul3A_0 = arith.muli %arg1, %mul3A : i32
    %add3A = arith.addi %mul3A_0, %arg0 : i32
    %mul3A_1 = arith.constant 256 : i32
    %mul3A_2 = arith.muli %add3A, %mul3A_1 : i32
    "tpu.region"() ({
      %run_scoped3A = tpu.sem_alloc : memref<!tpu.dma_semaphore, #tpu.memory_space<semaphore_mem>>
      tpu.enqueue_dma source(%arg2 : memref<8192xf32, #tpu.memory_space<hbm>>) target(%arg8 : memref<8192xf32, #tpu.memory_space<vmem>>) target_semaphore(%run_scoped3A : memref<!tpu.dma_semaphore, #tpu.memory_space<semaphore_mem>>)
      tpu.wait_dma2 semaphore(%run_scoped3A : memref<!tpu.dma_semaphore, #tpu.memory_space<semaphore_mem>>) src(%arg2 : memref<8192xf32, #tpu.memory_space<hbm>>) dst(%arg8 : memref<8192xf32, #tpu.memory_space<vmem>>)
      tpu.yield
    }) : () -> ()
    "tpu.region"() ({
      %run_scoped3A = tpu.sem_alloc : memref<!tpu.dma_semaphore, #tpu.memory_space<semaphore_mem>>
      tpu.enqueue_dma source(%arg3 : memref<8192xf32, #tpu.memory_space<hbm>>) target(%arg9 : memref<8192xf32, #tpu.memory_space<vmem>>) target_semaphore(%run_scoped3A : memref<!tpu.dma_semaphore, #tpu.memory_space<semaphore_mem>>)
      tpu.wait_dma2 semaphore(%run_scoped3A : memref<!tpu.dma_semaphore, #tpu.memory_space<semaphore_mem>>) src(%arg3 : memref<8192xf32, #tpu.memory_space<hbm>>) dst(%arg9 : memref<8192xf32, #tpu.memory_space<vmem>>)
      tpu.yield
    }) : () -> ()
    "tpu.region"() ({
      %run_scoped3A = tpu.sem_alloc : memref<!tpu.dma_semaphore, #tpu.memory_space<semaphore_mem>>
      tpu.enqueue_dma source(%arg4 : memref<8192xf32, #tpu.memory_space<hbm>>) target(%arg10 : memref<8192xf32, #tpu.memory_space<vmem>>) target_semaphore(%run_scoped3A : memref<!tpu.dma_semaphore, #tpu.memory_space<semaphore_mem>>)
      tpu.wait_dma2 semaphore(%run_scoped3A : memref<!tpu.dma_semaphore, #tpu.memory_space<semaphore_mem>>) src(%arg4 : memref<8192xf32, #tpu.memory_space<hbm>>) dst(%arg10 : memref<8192xf32, #tpu.memory_space<vmem>>)
      tpu.yield
    }) : () -> ()
    "tpu.region"() ({
      %run_scoped3A = tpu.sem_alloc : memref<!tpu.dma_semaphore, #tpu.memory_space<semaphore_mem>>
      tpu.enqueue_dma source(%arg5 : memref<8192xi32, #tpu.memory_space<hbm>>) target(%arg15 : memref<8192xi32, #tpu.memory_space<vmem>>) target_semaphore(%run_scoped3A : memref<!tpu.dma_semaphore, #tpu.memory_space<semaphore_mem>>)
      tpu.wait_dma2 semaphore(%run_scoped3A : memref<!tpu.dma_semaphore, #tpu.memory_space<semaphore_mem>>) src(%arg5 : memref<8192xi32, #tpu.memory_space<hbm>>) dst(%arg15 : memref<8192xi32, #tpu.memory_space<vmem>>)
      tpu.yield
    }) : () -> ()
    "tpu.region"() ({
      %run_scoped3A = tpu.sem_alloc : memref<!tpu.dma_semaphore, #tpu.memory_space<semaphore_mem>>
      tpu.enqueue_dma source(%arg6 : memref<16xi32, #tpu.memory_space<hbm>>) target(%arg16 : memref<16xi32, #tpu.memory_space<vmem>>) target_semaphore(%run_scoped3A : memref<!tpu.dma_semaphore, #tpu.memory_space<semaphore_mem>>)
      tpu.wait_dma2 semaphore(%run_scoped3A : memref<!tpu.dma_semaphore, #tpu.memory_space<semaphore_mem>>) src(%arg6 : memref<16xi32, #tpu.memory_space<hbm>>) dst(%arg16 : memref<16xi32, #tpu.memory_space<vmem>>)
      tpu.yield
    }) : () -> ()
    %while3A = arith.constant 0 : i32
    %while3A_3 = arith.constant 512 : i32
    %while3A_4 = arith.constant 0 : i32
    %while3A_5 = arith.subi %while3A_3, %while3A : i32
    %while3A_6 = arith.addi %while3A, %while3A_5 : i32
    %while3A_7 = arith.constant 1 : i32
    %while3A_8 = arith.divsi %while3A_5, %while3A_7 : i32
    %while3A_9 = arith.muli %while3A_8, %while3A_7 : i32
    %while3A_10 = arith.addi %while3A, %while3A_9 : i32
    %while3A_11 = arith.constant 1 : i32
    %while3A_12 = scf.for %while3A_28 = %while3A to %while3A_10 step %while3A_11 iter_args(%while3A_29 = %while3A_4) -> (i32)  : i32 {
      %mul3A_30 = arith.constant 16 : i32
      %mul3A_31 = arith.muli %while3A_28, %mul3A_30 : i32
      %get3A = arith.index_cast %mul3A_31 : i32 to index
      %get3A_32 = tpu.vector_load %arg8[%get3A] {strides = array<i32>} : memref<8192xf32, #tpu.memory_space<vmem>>, vector<16xf32>,
      %get3A_33 = arith.index_cast %mul3A_31 : i32 to index
      %get3A_34 = tpu.vector_load %arg9[%get3A_33] {strides = array<i32>} : memref<8192xf32, #tpu.memory_space<vmem>>, vector<16xf32>,
      %get3A_35 = arith.index_cast %mul3A_31 : i32 to index
      %get3A_36 = tpu.vector_load %arg10[%get3A_35] {strides = array<i32>} : memref<8192xf32, #tpu.memory_space<vmem>>, vector<16xf32>,
      %mul3A_37 = arith.mulf %get3A_32, %get3A_32 : vector<16xf32>
      %mul3A_38 = arith.mulf %get3A_34, %get3A_34 : vector<16xf32>
      %add3A_39 = arith.addf %mul3A_37, %mul3A_38 : vector<16xf32>
      %mul3A_40 = arith.mulf %get3A_36, %get3A_36 : vector<16xf32>
      %add3A_41 = arith.addf %add3A_39, %mul3A_40 : vector<16xf32>
      %swap3A = arith.index_cast %mul3A_31 : i32 to index
      %swap3A_42 = tpu.vector_load %arg14[%swap3A] {strides = array<i32>} : memref<8256xf32, #tpu.memory_space<vmem>>, vector<16xf32>,
      tpu.vector_store %arg14[%swap3A], %add3A_41 {strides = array<i32>} : memref<8256xf32, #tpu.memory_space<vmem>>, vector<16xf32>,
      %bitcast_convert_type3A = tpu.bitcast %get3A_32 : vector<16xf32> -> vector<16xi32>
      %shift_right_logical3A = arith.constant 16 : i32
      %shift_right_logical3A_43 = vector.broadcast %shift_right_logical3A : i32 to vector<16xi32>
      %shift_right_logical3A_44 = arith.shrui %bitcast_convert_type3A, %shift_right_logical3A_43 : vector<16xi32>
      %and3A = arith.constant 1 : i32
      %and3A_45 = vector.broadcast %and3A : i32 to vector<16xi32>
      %and3A_46 = arith.andi %shift_right_logical3A_44, %and3A_45 : vector<16xi32>
      %add3A_47 = arith.constant 32767 : i32
      %add3A_48 = vector.broadcast %add3A_47 : i32 to vector<16xi32>
      %add3A_49 = arith.addi %bitcast_convert_type3A, %add3A_48 : vector<16xi32>
      %add3A_50 = arith.addi %add3A_49, %and3A_46 : vector<16xi32>
      %and3A_51 = arith.constant -65536 : i32
      %and3A_52 = vector.broadcast %and3A_51 : i32 to vector<16xi32>
      %and3A_53 = arith.andi %add3A_50, %and3A_52 : vector<16xi32>
      %bitcast_convert_type3A_54 = tpu.bitcast %and3A_53 : vector<16xi32> -> vector<16xf32>
      %swap3A_55 = arith.index_cast %mul3A_31 : i32 to index
      %swap3A_56 = tpu.vector_load %arg11[%swap3A_55] {strides = array<i32>} : memref<8256xf32, #tpu.memory_space<vmem>>, vector<16xf32>,
      tpu.vector_store %arg11[%swap3A_55], %bitcast_convert_type3A_54 {strides = array<i32>} : memref<8256xf32, #tpu.memory_space<vmem>>, vector<16xf32>,
      %bitcast_convert_type3A_57 = tpu.bitcast %get3A_34 : vector<16xf32> -> vector<16xi32>
      %shift_right_logical3A_58 = arith.constant 16 : i32
      %shift_right_logical3A_59 = vector.broadcast %shift_right_logical3A_58 : i32 to vector<16xi32>
      %shift_right_logical3A_60 = arith.shrui %bitcast_convert_type3A_57, %shift_right_logical3A_59 : vector<16xi32>
      %and3A_61 = arith.constant 1 : i32
      %and3A_62 = vector.broadcast %and3A_61 : i32 to vector<16xi32>
      %and3A_63 = arith.andi %shift_right_logical3A_60, %and3A_62 : vector<16xi32>
      %add3A_64 = arith.constant 32767 : i32
      %add3A_65 = vector.broadcast %add3A_64 : i32 to vector<16xi32>
      %add3A_66 = arith.addi %bitcast_convert_type3A_57, %add3A_65 : vector<16xi32>
      %add3A_67 = arith.addi %add3A_66, %and3A_63 : vector<16xi32>
      %and3A_68 = arith.constant -65536 : i32
      %and3A_69 = vector.broadcast %and3A_68 : i32 to vector<16xi32>
      %and3A_70 = arith.andi %add3A_67, %and3A_69 : vector<16xi32>
      %bitcast_convert_type3A_71 = tpu.bitcast %and3A_70 : vector<16xi32> -> vector<16xf32>
      %swap3A_72 = arith.index_cast %mul3A_31 : i32 to index
      %swap3A_73 = tpu.vector_load %arg12[%swap3A_72] {strides = array<i32>} : memref<8256xf32, #tpu.memory_space<vmem>>, vector<16xf32>,
      tpu.vector_store %arg12[%swap3A_72], %bitcast_convert_type3A_71 {strides = array<i32>} : memref<8256xf32, #tpu.memory_space<vmem>>, vector<16xf32>,
      %bitcast_convert_type3A_74 = tpu.bitcast %get3A_36 : vector<16xf32> -> vector<16xi32>
      %shift_right_logical3A_75 = arith.constant 16 : i32
      %shift_right_logical3A_76 = vector.broadcast %shift_right_logical3A_75 : i32 to vector<16xi32>
      %shift_right_logical3A_77 = arith.shrui %bitcast_convert_type3A_74, %shift_right_logical3A_76 : vector<16xi32>
      %and3A_78 = arith.constant 1 : i32
      %and3A_79 = vector.broadcast %and3A_78 : i32 to vector<16xi32>
      %and3A_80 = arith.andi %shift_right_logical3A_77, %and3A_79 : vector<16xi32>
      %add3A_81 = arith.constant 32767 : i32
      %add3A_82 = vector.broadcast %add3A_81 : i32 to vector<16xi32>
      %add3A_83 = arith.addi %bitcast_convert_type3A_74, %add3A_82 : vector<16xi32>
      %add3A_84 = arith.addi %add3A_83, %and3A_80 : vector<16xi32>
      %and3A_85 = arith.constant -65536 : i32
      %and3A_86 = vector.broadcast %and3A_85 : i32 to vector<16xi32>
      %and3A_87 = arith.andi %add3A_84, %and3A_86 : vector<16xi32>
      %bitcast_convert_type3A_88 = tpu.bitcast %and3A_87 : vector<16xi32> -> vector<16xf32>
      %swap3A_89 = arith.index_cast %mul3A_31 : i32 to index
      %swap3A_90 = tpu.vector_load %arg13[%swap3A_89] {strides = array<i32>} : memref<8256xf32, #tpu.memory_space<vmem>>, vector<16xf32>,
      tpu.vector_store %arg13[%swap3A_89], %bitcast_convert_type3A_88 {strides = array<i32>} : memref<8256xf32, #tpu.memory_space<vmem>>, vector<16xf32>,
      %while3A_91 = arith.constant 0 : i32
      scf.yield %while3A_91 : i32
    }
    %while3A_13 = arith.constant 1 : i32
    %while3A_14 = scf.for %while3A_28 = %while3A_10 to %while3A_6 step %while3A_13 iter_args(%while3A_29 = %while3A_12) -> (i32)  : i32 {
      %mul3A_30 = arith.constant 16 : i32
      %mul3A_31 = arith.muli %while3A_28, %mul3A_30 : i32
      %get3A = arith.index_cast %mul3A_31 : i32 to index
      %get3A_32 = tpu.vector_load %arg8[%get3A] {strides = array<i32>} : memref<8192xf32, #tpu.memory_space<vmem>>, vector<16xf32>,
      %get3A_33 = arith.index_cast %mul3A_31 : i32 to index
      %get3A_34 = tpu.vector_load %arg9[%get3A_33] {strides = array<i32>} : memref<8192xf32, #tpu.memory_space<vmem>>, vector<16xf32>,
      %get3A_35 = arith.index_cast %mul3A_31 : i32 to index
      %get3A_36 = tpu.vector_load %arg10[%get3A_35] {strides = array<i32>} : memref<8192xf32, #tpu.memory_space<vmem>>, vector<16xf32>,
      %mul3A_37 = arith.mulf %get3A_32, %get3A_32 : vector<16xf32>
      %mul3A_38 = arith.mulf %get3A_34, %get3A_34 : vector<16xf32>
      %add3A_39 = arith.addf %mul3A_37, %mul3A_38 : vector<16xf32>
      %mul3A_40 = arith.mulf %get3A_36, %get3A_36 : vector<16xf32>
      %add3A_41 = arith.addf %add3A_39, %mul3A_40 : vector<16xf32>
      %swap3A = arith.index_cast %mul3A_31 : i32 to index
      %swap3A_42 = tpu.vector_load %arg14[%swap3A] {strides = array<i32>} : memref<8256xf32, #tpu.memory_space<vmem>>, vector<16xf32>,
      tpu.vector_store %arg14[%swap3A], %add3A_41 {strides = array<i32>} : memref<8256xf32, #tpu.memory_space<vmem>>, vector<16xf32>,
      %bitcast_convert_type3A = tpu.bitcast %get3A_32 : vector<16xf32> -> vector<16xi32>
      %shift_right_logical3A = arith.constant 16 : i32
      %shift_right_logical3A_43 = vector.broadcast %shift_right_logical3A : i32 to vector<16xi32>
      %shift_right_logical3A_44 = arith.shrui %bitcast_convert_type3A, %shift_right_logical3A_43 : vector<16xi32>
      %and3A = arith.constant 1 : i32
      %and3A_45 = vector.broadcast %and3A : i32 to vector<16xi32>
      %and3A_46 = arith.andi %shift_right_logical3A_44, %and3A_45 : vector<16xi32>
      %add3A_47 = arith.constant 32767 : i32
      %add3A_48 = vector.broadcast %add3A_47 : i32 to vector<16xi32>
      %add3A_49 = arith.addi %bitcast_convert_type3A, %add3A_48 : vector<16xi32>
      %add3A_50 = arith.addi %add3A_49, %and3A_46 : vector<16xi32>
      %and3A_51 = arith.constant -65536 : i32
      %and3A_52 = vector.broadcast %and3A_51 : i32 to vector<16xi32>
      %and3A_53 = arith.andi %add3A_50, %and3A_52 : vector<16xi32>
      %bitcast_convert_type3A_54 = tpu.bitcast %and3A_53 : vector<16xi32> -> vector<16xf32>
      %swap3A_55 = arith.index_cast %mul3A_31 : i32 to index
      %swap3A_56 = tpu.vector_load %arg11[%swap3A_55] {strides = array<i32>} : memref<8256xf32, #tpu.memory_space<vmem>>, vector<16xf32>,
      tpu.vector_store %arg11[%swap3A_55], %bitcast_convert_type3A_54 {strides = array<i32>} : memref<8256xf32, #tpu.memory_space<vmem>>, vector<16xf32>,
      %bitcast_convert_type3A_57 = tpu.bitcast %get3A_34 : vector<16xf32> -> vector<16xi32>
      %shift_right_logical3A_58 = arith.constant 16 : i32
      %shift_right_logical3A_59 = vector.broadcast %shift_right_logical3A_58 : i32 to vector<16xi32>
      %shift_right_logical3A_60 = arith.shrui %bitcast_convert_type3A_57, %shift_right_logical3A_59 : vector<16xi32>
      %and3A_61 = arith.constant 1 : i32
      %and3A_62 = vector.broadcast %and3A_61 : i32 to vector<16xi32>
      %and3A_63 = arith.andi %shift_right_logical3A_60, %and3A_62 : vector<16xi32>
      %add3A_64 = arith.constant 32767 : i32
      %add3A_65 = vector.broadcast %add3A_64 : i32 to vector<16xi32>
      %add3A_66 = arith.addi %bitcast_convert_type3A_57, %add3A_65 : vector<16xi32>
      %add3A_67 = arith.addi %add3A_66, %and3A_63 : vector<16xi32>
      %and3A_68 = arith.constant -65536 : i32
      %and3A_69 = vector.broadcast %and3A_68 : i32 to vector<16xi32>
      %and3A_70 = arith.andi %add3A_67, %and3A_69 : vector<16xi32>
      %bitcast_convert_type3A_71 = tpu.bitcast %and3A_70 : vector<16xi32> -> vector<16xf32>
      %swap3A_72 = arith.index_cast %mul3A_31 : i32 to index
      %swap3A_73 = tpu.vector_load %arg12[%swap3A_72] {strides = array<i32>} : memref<8256xf32, #tpu.memory_space<vmem>>, vector<16xf32>,
      tpu.vector_store %arg12[%swap3A_72], %bitcast_convert_type3A_71 {strides = array<i32>} : memref<8256xf32, #tpu.memory_space<vmem>>, vector<16xf32>,
      %bitcast_convert_type3A_74 = tpu.bitcast %get3A_36 : vector<16xf32> -> vector<16xi32>
      %shift_right_logical3A_75 = arith.constant 16 : i32
      %shift_right_logical3A_76 = vector.broadcast %shift_right_logical3A_75 : i32 to vector<16xi32>
      %shift_right_logical3A_77 = arith.shrui %bitcast_convert_type3A_74, %shift_right_logical3A_76 : vector<16xi32>
      %and3A_78 = arith.constant 1 : i32
      %and3A_79 = vector.broadcast %and3A_78 : i32 to vector<16xi32>
      %and3A_80 = arith.andi %shift_right_logical3A_77, %and3A_79 : vector<16xi32>
      %add3A_81 = arith.constant 32767 : i32
      %add3A_82 = vector.broadcast %add3A_81 : i32 to vector<16xi32>
      %add3A_83 = arith.addi %bitcast_convert_type3A_74, %add3A_82 : vector<16xi32>
      %add3A_84 = arith.addi %add3A_83, %and3A_80 : vector<16xi32>
      %and3A_85 = arith.constant -65536 : i32
      %and3A_86 = vector.broadcast %and3A_85 : i32 to vector<16xi32>
      %and3A_87 = arith.andi %add3A_84, %and3A_86 : vector<16xi32>
      %bitcast_convert_type3A_88 = tpu.bitcast %and3A_87 : vector<16xi32> -> vector<16xf32>
      %swap3A_89 = arith.index_cast %mul3A_31 : i32 to index
      %swap3A_90 = tpu.vector_load %arg13[%swap3A_89] {strides = array<i32>} : memref<8256xf32, #tpu.memory_space<vmem>>, vector<16xf32>,
      tpu.vector_store %arg13[%swap3A_89], %bitcast_convert_type3A_88 {strides = array<i32>} : memref<8256xf32, #tpu.memory_space<vmem>>, vector<16xf32>,
      %while3A_91 = arith.constant 0 : i32
      scf.yield %while3A_91 : i32
    }
    %iota3A = tpu.iota {dimensions = array<i32: 0>} : vector<16xi32>
    %while3A_15 = arith.constant 0 : i32
    %while3A_16 = arith.constant 256 : i32
    %while3A_17 = arith.constant 0 : i32
    %while3A_18 = arith.subi %while3A_16, %while3A_15 : i32
    %while3A_19 = arith.addi %while3A_15, %while3A_18 : i32
    %while3A_20 = arith.constant 1 : i32
    %while3A_21 = arith.divsi %while3A_18, %while3A_20 : i32
    %while3A_22 = arith.muli %while3A_21, %while3A_20 : i32
    %while3A_23 = arith.addi %while3A_15, %while3A_22 : i32
    %while3A_24 = arith.constant 1 : i32
    %while3A_25 = scf.for %while3A_28 = %while3A_15 to %while3A_23 step %while3A_24 iter_args(%while3A_29 = %while3A_17) -> (i32)  : i32 {
      %add3A_30 = arith.addi %mul3A_2, %while3A_28 : i32
      %broadcast_in_dim3A = vector.broadcast %add3A_30 : i32 to vector<16xi32>
      %gather3A = tpu.vector_load_idx %arg15[%broadcast_in_dim3A] : memref<8192xi32, #tpu.memory_space<vmem>>[vector<16xi32>], vector<16xi32>,
      %gather3A_31 = tpu.vector_load_idx %arg16[%gather3A] : memref<16xi32, #tpu.memory_space<vmem>>[vector<16xi32>], vector<16xi32>,
      %add3A_32 = arith.constant 1 : i32
      %add3A_33 = vector.broadcast %add3A_32 : i32 to vector<16xi32>
      %add3A_34 = arith.addi %gather3A, %add3A_33 : vector<16xi32>
      %gather3A_35 = tpu.vector_load_idx %arg16[%add3A_34] : memref<16xi32, #tpu.memory_space<vmem>>[vector<16xi32>], vector<16xi32>,
      %reduce_max3A = arith.constant true
      %reduce_max3A_36 = vector.broadcast %reduce_max3A : i1 to vector<16xi1>
      %reduce_max3A_37 = arith.constant -2147483648 : i32
      %reduce_max3A_38 = vector.broadcast %reduce_max3A_37 : i32 to vector<16xi32>
      %reduce_max3A_39 = arith.xori %gather3A_31, %reduce_max3A_38 : vector<16xi32>
      %reduce_max3A_40 = tpu.scan <max>, %reduce_max3A_39 masked %reduce_max3A_36 : vector<16xi32>, vector<16xi1> -> vector<16xi32>
      %reduce_max3A_41 = arith.xori %reduce_max3A_40, %reduce_max3A_38 : vector<16xi32>
      %reduce_max3A_42 = vector.extract %reduce_max3A_41[15] : i32 from vector<16xi32>
      %reduce_max3A_43 = arith.constant true
      %reduce_max3A_44 = vector.broadcast %reduce_max3A_43 : i1 to vector<16xi1>
      %reduce_max3A_45 = arith.constant -2147483648 : i32
      %reduce_max3A_46 = vector.broadcast %reduce_max3A_45 : i32 to vector<16xi32>
      %reduce_max3A_47 = arith.xori %gather3A_35, %reduce_max3A_46 : vector<16xi32>
      %reduce_max3A_48 = tpu.scan <max>, %reduce_max3A_47 masked %reduce_max3A_44 : vector<16xi32>, vector<16xi1> -> vector<16xi32>
      %reduce_max3A_49 = arith.xori %reduce_max3A_48, %reduce_max3A_46 : vector<16xi32>
      %reduce_max3A_50 = vector.extract %reduce_max3A_49[15] : i32 from vector<16xi32>
      %gather3A_51 = tpu.vector_load_idx %arg11[%broadcast_in_dim3A] : memref<8256xf32, #tpu.memory_space<vmem>>[vector<16xi32>], vector<16xf32>,
      %gather3A_52 = tpu.vector_load_idx %arg12[%broadcast_in_dim3A] : memref<8256xf32, #tpu.memory_space<vmem>>[vector<16xi32>], vector<16xf32>,
      %gather3A_53 = tpu.vector_load_idx %arg13[%broadcast_in_dim3A] : memref<8256xf32, #tpu.memory_space<vmem>>[vector<16xi32>], vector<16xf32>,
      %gather3A_54 = tpu.vector_load_idx %arg14[%broadcast_in_dim3A] : memref<8256xf32, #tpu.memory_space<vmem>>[vector<16xi32>], vector<16xf32>,
      %div3A = arith.constant 16 : i32
      %div3A_55 = arith.divsi %reduce_max3A_42, %div3A : i32
      %add3A_56 = arith.constant 15 : i32
      %add3A_57 = arith.addi %reduce_max3A_50, %add3A_56 : i32
      %div3A_58 = arith.constant 16 : i32
      %div3A_59 = arith.divsi %add3A_57, %div3A_58 : i32
      %sub3A = arith.subi %div3A_59, %div3A_55 : i32
      %add3A_60 = arith.constant 3 : i32
      %add3A_61 = arith.addi %sub3A, %add3A_60 : i32
      %div3A_62 = arith.constant 4 : i32
      %div3A_63 = arith.divsi %add3A_61, %div3A_62 : i32
      %broadcast_in_dim3A_64 = arith.constant 3.000000e+38 : f32
      %broadcast_in_dim3A_65 = vector.broadcast %broadcast_in_dim3A_64 : f32 to vector<16xf32>
      %broadcast_in_dim3A_66 = arith.constant 0 : i32
      %broadcast_in_dim3A_67 = vector.broadcast %broadcast_in_dim3A_66 : i32 to vector<16xi32>
      %while3A_68 = arith.constant 0 : i32
      %while3A_69 = arith.constant 3.000000e+38 : f32
      %while3A_70 = arith.subi %div3A_63, %while3A_68 : i32
      %while3A_71 = arith.addi %while3A_68, %while3A_70 : i32
      %while3A_72 = arith.constant 1 : i32
      %while3A_73 = arith.divsi %while3A_70, %while3A_72 : i32
      %while3A_74 = arith.muli %while3A_73, %while3A_72 : i32
      %while3A_75 = arith.addi %while3A_68, %while3A_74 : i32
      %while3A_76 = arith.constant 1 : i32
      %while3A_77:3 = scf.for %while3A_83 = %while3A_68 to %while3A_75 step %while3A_76 iter_args(%while3A_84 = %broadcast_in_dim3A_65, %while3A_85 = %broadcast_in_dim3A_67, %while3A_86 = %while3A_69) -> (vector<16xf32>, vector<16xi32>, f32)  : i32 {
        %mul3A_87 = arith.constant 4 : i32
        %mul3A_88 = arith.muli %while3A_83, %mul3A_87 : i32
        %add3A_89 = arith.addi %div3A_55, %mul3A_88 : i32
        %add3A_90 = arith.constant 0 : i32
        %add3A_91 = arith.addi %add3A_89, %add3A_90 : i32
        %mul3A_92 = arith.constant 16 : i32
        %mul3A_93 = arith.muli %add3A_91, %mul3A_92 : i32
        %get3A = arith.index_cast %mul3A_93 : i32 to index
        %get3A_94 = tpu.vector_load %arg11[%get3A] {strides = array<i32>} : memref<8256xf32, #tpu.memory_space<vmem>>, vector<16xf32>,
        %get3A_95 = arith.index_cast %mul3A_93 : i32 to index
        %get3A_96 = tpu.vector_load %arg12[%get3A_95] {strides = array<i32>} : memref<8256xf32, #tpu.memory_space<vmem>>, vector<16xf32>,
        %get3A_97 = arith.index_cast %mul3A_93 : i32 to index
        %get3A_98 = tpu.vector_load %arg13[%get3A_97] {strides = array<i32>} : memref<8256xf32, #tpu.memory_space<vmem>>, vector<16xf32>,
        %get3A_99 = arith.index_cast %mul3A_93 : i32 to index
        %get3A_100 = tpu.vector_load %arg14[%get3A_99] {strides = array<i32>} : memref<8256xf32, #tpu.memory_space<vmem>>, vector<16xf32>,
        %mul3A_101 = arith.mulf %gather3A_51, %get3A_94 : vector<16xf32>
        %mul3A_102 = arith.mulf %gather3A_52, %get3A_96 : vector<16xf32>
        %add3A_103 = arith.addf %mul3A_101, %mul3A_102 : vector<16xf32>
        %mul3A_104 = arith.mulf %gather3A_53, %get3A_98 : vector<16xf32>
        %add3A_105 = arith.addf %add3A_103, %mul3A_104 : vector<16xf32>
        %add3A_106 = arith.addf %gather3A_54, %get3A_100 : vector<16xf32>
        %mul3A_107 = arith.constant 2.000000e+00 : f32
        %mul3A_108 = vector.broadcast %mul3A_107 : f32 to vector<16xf32>
        %mul3A_109 = arith.mulf %mul3A_108, %add3A_105 : vector<16xf32>
        %sub3A_110 = arith.subf %add3A_106, %mul3A_109 : vector<16xf32>
        %add3A_111 = vector.broadcast %mul3A_93 : i32 to vector<16xi32>
        %add3A_112 = arith.addi %iota3A, %add3A_111 : vector<16xi32>
        %ge3A = vector.broadcast %reduce_max3A_42 : i32 to vector<16xi32>
        %ge3A_113 = arith.cmpi sge, %add3A_112, %ge3A : vector<16xi32>
        %lt3A = vector.broadcast %reduce_max3A_50 : i32 to vector<16xi32>
        %lt3A_114 = arith.cmpi slt, %add3A_112, %lt3A : vector<16xi32>
        %and3A = arith.andi %ge3A_113, %lt3A_114 : vector<16xi1>
        %ne3A = vector.broadcast %add3A_30 : i32 to vector<16xi32>
        %ne3A_115 = arith.cmpi ne, %add3A_112, %ne3A : vector<16xi32>
        %and3A_116 = arith.andi %and3A, %ne3A_115 : vector<16xi1>
        %jit3A = arith.constant 1.000000e+10 : f32
        %broadcast_in_dim3A_117 = vector.broadcast %jit3A : f32 to vector<16xf32>
        %select_n3A = arith.select %and3A_116, %sub3A_110, %broadcast_in_dim3A_117 : vector<16xi1>, vector<16xf32>
        %mul3A_118 = arith.constant 4 : i32
        %mul3A_119 = arith.muli %while3A_83, %mul3A_118 : i32
        %add3A_120 = arith.addi %div3A_55, %mul3A_119 : i32
        %add3A_121 = arith.constant 1 : i32
        %add3A_122 = arith.addi %add3A_120, %add3A_121 : i32
        %mul3A_123 = arith.constant 16 : i32
        %mul3A_124 = arith.muli %add3A_122, %mul3A_123 : i32
        %get3A_125 = arith.index_cast %mul3A_124 : i32 to index
        %get3A_126 = tpu.vector_load %arg11[%get3A_125] {strides = array<i32>} : memref<8256xf32, #tpu.memory_space<vmem>>, vector<16xf32>,
        %get3A_127 = arith.index_cast %mul3A_124 : i32 to index
        %get3A_128 = tpu.vector_load %arg12[%get3A_127] {strides = array<i32>} : memref<8256xf32, #tpu.memory_space<vmem>>, vector<16xf32>,
        %get3A_129 = arith.index_cast %mul3A_124 : i32 to index
        %get3A_130 = tpu.vector_load %arg13[%get3A_129] {strides = array<i32>} : memref<8256xf32, #tpu.memory_space<vmem>>, vector<16xf32>,
        %get3A_131 = arith.index_cast %mul3A_124 : i32 to index
        %get3A_132 = tpu.vector_load %arg14[%get3A_131] {strides = array<i32>} : memref<8256xf32, #tpu.memory_space<vmem>>, vector<16xf32>,
        %mul3A_133 = arith.mulf %gather3A_51, %get3A_126 : vector<16xf32>
        %mul3A_134 = arith.mulf %gather3A_52, %get3A_128 : vector<16xf32>
        %add3A_135 = arith.addf %mul3A_133, %mul3A_134 : vector<16xf32>
        %mul3A_136 = arith.mulf %gather3A_53, %get3A_130 : vector<16xf32>
        %add3A_137 = arith.addf %add3A_135, %mul3A_136 : vector<16xf32>
        %add3A_138 = arith.addf %gather3A_54, %get3A_132 : vector<16xf32>
        %mul3A_139 = arith.constant 2.000000e+00 : f32
        %mul3A_140 = vector.broadcast %mul3A_139 : f32 to vector<16xf32>
        %mul3A_141 = arith.mulf %mul3A_140, %add3A_137 : vector<16xf32>
        %sub3A_142 = arith.subf %add3A_138, %mul3A_141 : vector<16xf32>
        %add3A_143 = vector.broadcast %mul3A_124 : i32 to vector<16xi32>
        %add3A_144 = arith.addi %iota3A, %add3A_143 : vector<16xi32>
        %ge3A_145 = vector.broadcast %reduce_max3A_42 : i32 to vector<16xi32>
        %ge3A_146 = arith.cmpi sge, %add3A_144, %ge3A_145 : vector<16xi32>
        %lt3A_147 = vector.broadcast %reduce_max3A_50 : i32 to vector<16xi32>
        %lt3A_148 = arith.cmpi slt, %add3A_144, %lt3A_147 : vector<16xi32>
        %and3A_149 = arith.andi %ge3A_146, %lt3A_148 : vector<16xi1>
        %ne3A_150 = vector.broadcast %add3A_30 : i32 to vector<16xi32>
        %ne3A_151 = arith.cmpi ne, %add3A_144, %ne3A_150 : vector<16xi32>
        %and3A_152 = arith.andi %and3A_149, %ne3A_151 : vector<16xi1>
        %jit3A_153 = arith.constant 1.000000e+10 : f32
        %broadcast_in_dim3A_154 = vector.broadcast %jit3A_153 : f32 to vector<16xf32>
        %select_n3A_155 = arith.select %and3A_152, %sub3A_142, %broadcast_in_dim3A_154 : vector<16xi1>, vector<16xf32>
        %mul3A_156 = arith.constant 4 : i32
        %mul3A_157 = arith.muli %while3A_83, %mul3A_156 : i32
        %add3A_158 = arith.addi %div3A_55, %mul3A_157 : i32
        %add3A_159 = arith.constant 2 : i32
        %add3A_160 = arith.addi %add3A_158, %add3A_159 : i32
        %mul3A_161 = arith.constant 16 : i32
        %mul3A_162 = arith.muli %add3A_160, %mul3A_161 : i32
        %get3A_163 = arith.index_cast %mul3A_162 : i32 to index
        %get3A_164 = tpu.vector_load %arg11[%get3A_163] {strides = array<i32>} : memref<8256xf32, #tpu.memory_space<vmem>>, vector<16xf32>,
        %get3A_165 = arith.index_cast %mul3A_162 : i32 to index
        %get3A_166 = tpu.vector_load %arg12[%get3A_165] {strides = array<i32>} : memref<8256xf32, #tpu.memory_space<vmem>>, vector<16xf32>,
        %get3A_167 = arith.index_cast %mul3A_162 : i32 to index
        %get3A_168 = tpu.vector_load %arg13[%get3A_167] {strides = array<i32>} : memref<8256xf32, #tpu.memory_space<vmem>>, vector<16xf32>,
        %get3A_169 = arith.index_cast %mul3A_162 : i32 to index
        %get3A_170 = tpu.vector_load %arg14[%get3A_169] {strides = array<i32>} : memref<8256xf32, #tpu.memory_space<vmem>>, vector<16xf32>,
        %mul3A_171 = arith.mulf %gather3A_51, %get3A_164 : vector<16xf32>
        %mul3A_172 = arith.mulf %gather3A_52, %get3A_166 : vector<16xf32>
        %add3A_173 = arith.addf %mul3A_171, %mul3A_172 : vector<16xf32>
        %mul3A_174 = arith.mulf %gather3A_53, %get3A_168 : vector<16xf32>
        %add3A_175 = arith.addf %add3A_173, %mul3A_174 : vector<16xf32>
        %add3A_176 = arith.addf %gather3A_54, %get3A_170 : vector<16xf32>
        %mul3A_177 = arith.constant 2.000000e+00 : f32
        %mul3A_178 = vector.broadcast %mul3A_177 : f32 to vector<16xf32>
        %mul3A_179 = arith.mulf %mul3A_178, %add3A_175 : vector<16xf32>
        %sub3A_180 = arith.subf %add3A_176, %mul3A_179 : vector<16xf32>
        %add3A_181 = vector.broadcast %mul3A_162 : i32 to vector<16xi32>
        %add3A_182 = arith.addi %iota3A, %add3A_181 : vector<16xi32>
        %ge3A_183 = vector.broadcast %reduce_max3A_42 : i32 to vector<16xi32>
        %ge3A_184 = arith.cmpi sge, %add3A_182, %ge3A_183 : vector<16xi32>
        %lt3A_185 = vector.broadcast %reduce_max3A_50 : i32 to vector<16xi32>
        %lt3A_186 = arith.cmpi slt, %add3A_182, %lt3A_185 : vector<16xi32>
        %and3A_187 = arith.andi %ge3A_184, %lt3A_186 : vector<16xi1>
        %ne3A_188 = vector.broadcast %add3A_30 : i32 to vector<16xi32>
        %ne3A_189 = arith.cmpi ne, %add3A_182, %ne3A_188 : vector<16xi32>
        %and3A_190 = arith.andi %and3A_187, %ne3A_189 : vector<16xi1>
        %jit3A_191 = arith.constant 1.000000e+10 : f32
        %broadcast_in_dim3A_192 = vector.broadcast %jit3A_191 : f32 to vector<16xf32>
        %select_n3A_193 = arith.select %and3A_190, %sub3A_180, %broadcast_in_dim3A_192 : vector<16xi1>, vector<16xf32>
        %mul3A_194 = arith.constant 4 : i32
        %mul3A_195 = arith.muli %while3A_83, %mul3A_194 : i32
        %add3A_196 = arith.addi %div3A_55, %mul3A_195 : i32
        %add3A_197 = arith.constant 3 : i32
        %add3A_198 = arith.addi %add3A_196, %add3A_197 : i32
        %mul3A_199 = arith.constant 16 : i32
        %mul3A_200 = arith.muli %add3A_198, %mul3A_199 : i32
        %get3A_201 = arith.index_cast %mul3A_200 : i32 to index
        %get3A_202 = tpu.vector_load %arg11[%get3A_201] {strides = array<i32>} : memref<8256xf32, #tpu.memory_space<vmem>>, vector<16xf32>,
        %get3A_203 = arith.index_cast %mul3A_200 : i32 to index
        %get3A_204 = tpu.vector_load %arg12[%get3A_203] {strides = array<i32>} : memref<8256xf32, #tpu.memory_space<vmem>>, vector<16xf32>,
        %get3A_205 = arith.index_cast %mul3A_200 : i32 to index
        %get3A_206 = tpu.vector_load %arg13[%get3A_205] {strides = array<i32>} : memref<8256xf32, #tpu.memory_space<vmem>>, vector<16xf32>,
        %get3A_207 = arith.index_cast %mul3A_200 : i32 to index
        %get3A_208 = tpu.vector_load %arg14[%get3A_207] {strides = array<i32>} : memref<8256xf32, #tpu.memory_space<vmem>>, vector<16xf32>,
        %mul3A_209 = arith.mulf %gather3A_51, %get3A_202 : vector<16xf32>
        %mul3A_210 = arith.mulf %gather3A_52, %get3A_204 : vector<16xf32>
        %add3A_211 = arith.addf %mul3A_209, %mul3A_210 : vector<16xf32>
        %mul3A_212 = arith.mulf %gather3A_53, %get3A_206 : vector<16xf32>
        %add3A_213 = arith.addf %add3A_211, %mul3A_212 : vector<16xf32>
        %add3A_214 = arith.addf %gather3A_54, %get3A_208 : vector<16xf32>
        %mul3A_215 = arith.constant 2.000000e+00 : f32
        %mul3A_216 = vector.broadcast %mul3A_215 : f32 to vector<16xf32>
        %mul3A_217 = arith.mulf %mul3A_216, %add3A_213 : vector<16xf32>
        %sub3A_218 = arith.subf %add3A_214, %mul3A_217 : vector<16xf32>
        %add3A_219 = vector.broadcast %mul3A_200 : i32 to vector<16xi32>
        %add3A_220 = arith.addi %iota3A, %add3A_219 : vector<16xi32>
        %ge3A_221 = vector.broadcast %reduce_max3A_42 : i32 to vector<16xi32>
        %ge3A_222 = arith.cmpi sge, %add3A_220, %ge3A_221 : vector<16xi32>
        %lt3A_223 = vector.broadcast %reduce_max3A_50 : i32 to vector<16xi32>
        %lt3A_224 = arith.cmpi slt, %add3A_220, %lt3A_223 : vector<16xi32>
        %and3A_225 = arith.andi %ge3A_222, %lt3A_224 : vector<16xi1>
        %ne3A_226 = vector.broadcast %add3A_30 : i32 to vector<16xi32>
        %ne3A_227 = arith.cmpi ne, %add3A_220, %ne3A_226 : vector<16xi32>
        %and3A_228 = arith.andi %and3A_225, %ne3A_227 : vector<16xi1>
        %jit3A_229 = arith.constant 1.000000e+10 : f32
        %broadcast_in_dim3A_230 = vector.broadcast %jit3A_229 : f32 to vector<16xf32>
        %select_n3A_231 = arith.select %and3A_228, %sub3A_218, %broadcast_in_dim3A_230 : vector<16xi1>, vector<16xf32>
        %min3A = arith.minimumf %select_n3A, %select_n3A_155 : vector<16xf32>
        %min3A_232 = arith.minimumf %select_n3A_193, %select_n3A_231 : vector<16xf32>
        %min3A_233 = arith.minimumf %min3A, %min3A_232 : vector<16xf32>
        %reduce_min3A = arith.constant true
        %reduce_min3A_234 = vector.broadcast %reduce_min3A : i1 to vector<16xi1>
        %reduce_min3A_235 = tpu.scan <min>, %min3A_233 masked %reduce_min3A_234 : vector<16xf32>, vector<16xi1> -> vector<16xf32>
        %reduce_min3A_236 = vector.extract %reduce_min3A_235[15] : f32 from vector<16xf32>
        %lt3A_237 = arith.cmpf olt, %reduce_min3A_236, %while3A_86 : f32
        %convert_element_type3A = arith.extui %lt3A_237 : i1 to i32
        %cond3A = arith.constant 0 : i32
        %cond3A_238 = arith.cmpi ne, %convert_element_type3A, %cond3A : i32
        %cond3A_239:3 = scf.if %cond3A_238 -> (vector<16xf32>, vector<16xi32>, f32) {
          %reduce_min3A_240 = arith.constant true
          %reduce_min3A_241 = vector.broadcast %reduce_min3A_240 : i1 to vector<16xi1>
          %reduce_min3A_242 = tpu.scan <min>, %select_n3A masked %reduce_min3A_241 : vector<16xf32>, vector<16xi1> -> vector<16xf32>
          %reduce_min3A_243 = vector.extract %reduce_min3A_242[15] : f32 from vector<16xf32>
          %lt3A_244 = arith.cmpf olt, %reduce_min3A_243, %while3A_86 : f32
          %convert_element_type3A_245 = arith.extui %lt3A_244 : i1 to i32
          %cond3A_246 = arith.constant 0 : i32
          %cond3A_247 = arith.cmpi ne, %convert_element_type3A_245, %cond3A_246 : i32
          %cond3A_248:3 = scf.if %cond3A_247 -> (vector<16xf32>, vector<16xi32>, f32) {
            %masked_sort3A = arith.constant dense<true> : vector<16xi1>
            %masked_sort3A_276, %masked_sort3A_277, %masked_sort3A_278 = tpu.sort %select_n3A, %add3A_112 masked %masked_sort3A {descending = true} : (vector<16xf32>, vector<16xi32>, vector<16xi1>) -> (vector<16xi1>, vector<16xf32>, vector<16xi32>)
            %lt3A_279 = arith.cmpf olt, %masked_sort3A_277, %while3A_84 : vector<16xf32>
            %select_n3A_280 = arith.select %lt3A_279, %masked_sort3A_277, %while3A_84 : vector<16xi1>, vector<16xf32>
            %select_n3A_281 = arith.select %lt3A_279, %masked_sort3A_278, %while3A_85 : vector<16xi1>, vector<16xi32>
            %masked_sort3A_282 = arith.constant dense<true> : vector<16xi1>
            %masked_sort3A_283, %masked_sort3A_284, %masked_sort3A_285 = tpu.sort %select_n3A_280, %select_n3A_281 masked %masked_sort3A_282 : (vector<16xf32>, vector<16xi32>, vector<16xi1>) -> (vector<16xi1>, vector<16xf32>, vector<16xi32>)
            %reduce_max3A_286 = arith.constant true
            %reduce_max3A_287 = vector.broadcast %reduce_max3A_286 : i1 to vector<16xi1>
            %reduce_max3A_288 = tpu.scan <max>, %masked_sort3A_284 masked %reduce_max3A_287 : vector<16xf32>, vector<16xi1> -> vector<16xf32>
            %reduce_max3A_289 = vector.extract %reduce_max3A_288[15] : f32 from vector<16xf32>
            scf.yield %masked_sort3A_284, %masked_sort3A_285, %reduce_max3A_289 : vector<16xf32>, vector<16xi32>, f32
          } else {
            scf.yield %while3A_84, %while3A_85, %while3A_86 : vector<16xf32>, vector<16xi32>, f32
          }
          %reduce_min3A_249 = arith.constant true
          %reduce_min3A_250 = vector.broadcast %reduce_min3A_249 : i1 to vector<16xi1>
          %reduce_min3A_251 = tpu.scan <min>, %select_n3A_155 masked %reduce_min3A_250 : vector<16xf32>, vector<16xi1> -> vector<16xf32>
          %reduce_min3A_252 = vector.extract %reduce_min3A_251[15] : f32 from vector<16xf32>
          %lt3A_253 = arith.cmpf olt, %reduce_min3A_252, %cond3A_248#2 : f32
          %convert_element_type3A_254 = arith.extui %lt3A_253 : i1 to i32
          %cond3A_255 = arith.constant 0 : i32
          %cond3A_256 = arith.cmpi ne, %convert_element_type3A_254, %cond3A_255 : i32
          %cond3A_257:3 = scf.if %cond3A_256 -> (vector<16xf32>, vector<16xi32>, f32) {
            %masked_sort3A = arith.constant dense<true> : vector<16xi1>
            %masked_sort3A_276, %masked_sort3A_277, %masked_sort3A_278 = tpu.sort %select_n3A_155, %add3A_144 masked %masked_sort3A {descending = true} : (vector<16xf32>, vector<16xi32>, vector<16xi1>) -> (vector<16xi1>, vector<16xf32>, vector<16xi32>)
            %lt3A_279 = arith.cmpf olt, %masked_sort3A_277, %cond3A_248#0 : vector<16xf32>
            %select_n3A_280 = arith.select %lt3A_279, %masked_sort3A_277, %cond3A_248#0 : vector<16xi1>, vector<16xf32>
            %select_n3A_281 = arith.select %lt3A_279, %masked_sort3A_278, %cond3A_248#1 : vector<16xi1>, vector<16xi32>
            %masked_sort3A_282 = arith.constant dense<true> : vector<16xi1>
            %masked_sort3A_283, %masked_sort3A_284, %masked_sort3A_285 = tpu.sort %select_n3A_280, %select_n3A_281 masked %masked_sort3A_282 : (vector<16xf32>, vector<16xi32>, vector<16xi1>) -> (vector<16xi1>, vector<16xf32>, vector<16xi32>)
            %reduce_max3A_286 = arith.constant true
            %reduce_max3A_287 = vector.broadcast %reduce_max3A_286 : i1 to vector<16xi1>
            %reduce_max3A_288 = tpu.scan <max>, %masked_sort3A_284 masked %reduce_max3A_287 : vector<16xf32>, vector<16xi1> -> vector<16xf32>
            %reduce_max3A_289 = vector.extract %reduce_max3A_288[15] : f32 from vector<16xf32>
            scf.yield %masked_sort3A_284, %masked_sort3A_285, %reduce_max3A_289 : vector<16xf32>, vector<16xi32>, f32
          } else {
            scf.yield %cond3A_248#0, %cond3A_248#1, %cond3A_248#2 : vector<16xf32>, vector<16xi32>, f32
          }
          %reduce_min3A_258 = arith.constant true
          %reduce_min3A_259 = vector.broadcast %reduce_min3A_258 : i1 to vector<16xi1>
          %reduce_min3A_260 = tpu.scan <min>, %select_n3A_193 masked %reduce_min3A_259 : vector<16xf32>, vector<16xi1> -> vector<16xf32>
          %reduce_min3A_261 = vector.extract %reduce_min3A_260[15] : f32 from vector<16xf32>
          %lt3A_262 = arith.cmpf olt, %reduce_min3A_261, %cond3A_257#2 : f32
          %convert_element_type3A_263 = arith.extui %lt3A_262 : i1 to i32
          %cond3A_264 = arith.constant 0 : i32
          %cond3A_265 = arith.cmpi ne, %convert_element_type3A_263, %cond3A_264 : i32
          %cond3A_266:3 = scf.if %cond3A_265 -> (vector<16xf32>, vector<16xi32>, f32) {
            %masked_sort3A = arith.constant dense<true> : vector<16xi1>
            %masked_sort3A_276, %masked_sort3A_277, %masked_sort3A_278 = tpu.sort %select_n3A_193, %add3A_182 masked %masked_sort3A {descending = true} : (vector<16xf32>, vector<16xi32>, vector<16xi1>) -> (vector<16xi1>, vector<16xf32>, vector<16xi32>)
            %lt3A_279 = arith.cmpf olt, %masked_sort3A_277, %cond3A_257#0 : vector<16xf32>
            %select_n3A_280 = arith.select %lt3A_279, %masked_sort3A_277, %cond3A_257#0 : vector<16xi1>, vector<16xf32>
            %select_n3A_281 = arith.select %lt3A_279, %masked_sort3A_278, %cond3A_257#1 : vector<16xi1>, vector<16xi32>
            %masked_sort3A_282 = arith.constant dense<true> : vector<16xi1>
            %masked_sort3A_283, %masked_sort3A_284, %masked_sort3A_285 = tpu.sort %select_n3A_280, %select_n3A_281 masked %masked_sort3A_282 : (vector<16xf32>, vector<16xi32>, vector<16xi1>) -> (vector<16xi1>, vector<16xf32>, vector<16xi32>)
            %reduce_max3A_286 = arith.constant true
            %reduce_max3A_287 = vector.broadcast %reduce_max3A_286 : i1 to vector<16xi1>
            %reduce_max3A_288 = tpu.scan <max>, %masked_sort3A_284 masked %reduce_max3A_287 : vector<16xf32>, vector<16xi1> -> vector<16xf32>
            %reduce_max3A_289 = vector.extract %reduce_max3A_288[15] : f32 from vector<16xf32>
            scf.yield %masked_sort3A_284, %masked_sort3A_285, %reduce_max3A_289 : vector<16xf32>, vector<16xi32>, f32
          } else {
            scf.yield %cond3A_257#0, %cond3A_257#1, %cond3A_257#2 : vector<16xf32>, vector<16xi32>, f32
          }
          %reduce_min3A_267 = arith.constant true
          %reduce_min3A_268 = vector.broadcast %reduce_min3A_267 : i1 to vector<16xi1>
          %reduce_min3A_269 = tpu.scan <min>, %select_n3A_231 masked %reduce_min3A_268 : vector<16xf32>, vector<16xi1> -> vector<16xf32>
          %reduce_min3A_270 = vector.extract %reduce_min3A_269[15] : f32 from vector<16xf32>
          %lt3A_271 = arith.cmpf olt, %reduce_min3A_270, %cond3A_266#2 : f32
          %convert_element_type3A_272 = arith.extui %lt3A_271 : i1 to i32
          %cond3A_273 = arith.constant 0 : i32
          %cond3A_274 = arith.cmpi ne, %convert_element_type3A_272, %cond3A_273 : i32
          %cond3A_275:3 = scf.if %cond3A_274 -> (vector<16xf32>, vector<16xi32>, f32) {
            %masked_sort3A = arith.constant dense<true> : vector<16xi1>
            %masked_sort3A_276, %masked_sort3A_277, %masked_sort3A_278 = tpu.sort %select_n3A_231, %add3A_220 masked %masked_sort3A {descending = true} : (vector<16xf32>, vector<16xi32>, vector<16xi1>) -> (vector<16xi1>, vector<16xf32>, vector<16xi32>)
            %lt3A_279 = arith.cmpf olt, %masked_sort3A_277, %cond3A_266#0 : vector<16xf32>
            %select_n3A_280 = arith.select %lt3A_279, %masked_sort3A_277, %cond3A_266#0 : vector<16xi1>, vector<16xf32>
            %select_n3A_281 = arith.select %lt3A_279, %masked_sort3A_278, %cond3A_266#1 : vector<16xi1>, vector<16xi32>
            %masked_sort3A_282 = arith.constant dense<true> : vector<16xi1>
            %masked_sort3A_283, %masked_sort3A_284, %masked_sort3A_285 = tpu.sort %select_n3A_280, %select_n3A_281 masked %masked_sort3A_282 : (vector<16xf32>, vector<16xi32>, vector<16xi1>) -> (vector<16xi1>, vector<16xf32>, vector<16xi32>)
            %reduce_max3A_286 = arith.constant true
            %reduce_max3A_287 = vector.broadcast %reduce_max3A_286 : i1 to vector<16xi1>
            %reduce_max3A_288 = tpu.scan <max>, %masked_sort3A_284 masked %reduce_max3A_287 : vector<16xf32>, vector<16xi1> -> vector<16xf32>
            %reduce_max3A_289 = vector.extract %reduce_max3A_288[15] : f32 from vector<16xf32>
            scf.yield %masked_sort3A_284, %masked_sort3A_285, %reduce_max3A_289 : vector<16xf32>, vector<16xi32>, f32
          } else {
            scf.yield %cond3A_266#0, %cond3A_266#1, %cond3A_266#2 : vector<16xf32>, vector<16xi32>, f32
          }
          scf.yield %cond3A_275#0, %cond3A_275#1, %cond3A_275#2 : vector<16xf32>, vector<16xi32>, f32
        } else {
          scf.yield %while3A_84, %while3A_85, %while3A_86 : vector<16xf32>, vector<16xi32>, f32
        }
        scf.yield %cond3A_239#0, %cond3A_239#1, %cond3A_239#2 : vector<16xf32>, vector<16xi32>, f32
      }
      %while3A_78 = arith.constant 1 : i32
      %while3A_79:3 = scf.for %while3A_83 = %while3A_75 to %while3A_71 step %while3A_78 iter_args(%while3A_84 = %while3A_77#0, %while3A_85 = %while3A_77#1, %while3A_86 = %while3A_77#2) -> (vector<16xf32>, vector<16xi32>, f32)  : i32 {
        %mul3A_87 = arith.constant 4 : i32
        %mul3A_88 = arith.muli %while3A_83, %mul3A_87 : i32
        %add3A_89 = arith.addi %div3A_55, %mul3A_88 : i32
        %add3A_90 = arith.constant 0 : i32
        %add3A_91 = arith.addi %add3A_89, %add3A_90 : i32
        %mul3A_92 = arith.constant 16 : i32
        %mul3A_93 = arith.muli %add3A_91, %mul3A_92 : i32
        %get3A = arith.index_cast %mul3A_93 : i32 to index
        %get3A_94 = tpu.vector_load %arg11[%get3A] {strides = array<i32>} : memref<8256xf32, #tpu.memory_space<vmem>>, vector<16xf32>,
        %get3A_95 = arith.index_cast %mul3A_93 : i32 to index
        %get3A_96 = tpu.vector_load %arg12[%get3A_95] {strides = array<i32>} : memref<8256xf32, #tpu.memory_space<vmem>>, vector<16xf32>,
        %get3A_97 = arith.index_cast %mul3A_93 : i32 to index
        %get3A_98 = tpu.vector_load %arg13[%get3A_97] {strides = array<i32>} : memref<8256xf32, #tpu.memory_space<vmem>>, vector<16xf32>,
        %get3A_99 = arith.index_cast %mul3A_93 : i32 to index
        %get3A_100 = tpu.vector_load %arg14[%get3A_99] {strides = array<i32>} : memref<8256xf32, #tpu.memory_space<vmem>>, vector<16xf32>,
        %mul3A_101 = arith.mulf %gather3A_51, %get3A_94 : vector<16xf32>
        %mul3A_102 = arith.mulf %gather3A_52, %get3A_96 : vector<16xf32>
        %add3A_103 = arith.addf %mul3A_101, %mul3A_102 : vector<16xf32>
        %mul3A_104 = arith.mulf %gather3A_53, %get3A_98 : vector<16xf32>
        %add3A_105 = arith.addf %add3A_103, %mul3A_104 : vector<16xf32>
        %add3A_106 = arith.addf %gather3A_54, %get3A_100 : vector<16xf32>
        %mul3A_107 = arith.constant 2.000000e+00 : f32
        %mul3A_108 = vector.broadcast %mul3A_107 : f32 to vector<16xf32>
        %mul3A_109 = arith.mulf %mul3A_108, %add3A_105 : vector<16xf32>
        %sub3A_110 = arith.subf %add3A_106, %mul3A_109 : vector<16xf32>
        %add3A_111 = vector.broadcast %mul3A_93 : i32 to vector<16xi32>
        %add3A_112 = arith.addi %iota3A, %add3A_111 : vector<16xi32>
        %ge3A = vector.broadcast %reduce_max3A_42 : i32 to vector<16xi32>
        %ge3A_113 = arith.cmpi sge, %add3A_112, %ge3A : vector<16xi32>
        %lt3A = vector.broadcast %reduce_max3A_50 : i32 to vector<16xi32>
        %lt3A_114 = arith.cmpi slt, %add3A_112, %lt3A : vector<16xi32>
        %and3A = arith.andi %ge3A_113, %lt3A_114 : vector<16xi1>
        %ne3A = vector.broadcast %add3A_30 : i32 to vector<16xi32>
        %ne3A_115 = arith.cmpi ne, %add3A_112, %ne3A : vector<16xi32>
        %and3A_116 = arith.andi %and3A, %ne3A_115 : vector<16xi1>
        %jit3A = arith.constant 1.000000e+10 : f32
        %broadcast_in_dim3A_117 = vector.broadcast %jit3A : f32 to vector<16xf32>
        %select_n3A = arith.select %and3A_116, %sub3A_110, %broadcast_in_dim3A_117 : vector<16xi1>, vector<16xf32>
        %mul3A_118 = arith.constant 4 : i32
        %mul3A_119 = arith.muli %while3A_83, %mul3A_118 : i32
        %add3A_120 = arith.addi %div3A_55, %mul3A_119 : i32
        %add3A_121 = arith.constant 1 : i32
        %add3A_122 = arith.addi %add3A_120, %add3A_121 : i32
        %mul3A_123 = arith.constant 16 : i32
        %mul3A_124 = arith.muli %add3A_122, %mul3A_123 : i32
        %get3A_125 = arith.index_cast %mul3A_124 : i32 to index
        %get3A_126 = tpu.vector_load %arg11[%get3A_125] {strides = array<i32>} : memref<8256xf32, #tpu.memory_space<vmem>>, vector<16xf32>,
        %get3A_127 = arith.index_cast %mul3A_124 : i32 to index
        %get3A_128 = tpu.vector_load %arg12[%get3A_127] {strides = array<i32>} : memref<8256xf32, #tpu.memory_space<vmem>>, vector<16xf32>,
        %get3A_129 = arith.index_cast %mul3A_124 : i32 to index
        %get3A_130 = tpu.vector_load %arg13[%get3A_129] {strides = array<i32>} : memref<8256xf32, #tpu.memory_space<vmem>>, vector<16xf32>,
        %get3A_131 = arith.index_cast %mul3A_124 : i32 to index
        %get3A_132 = tpu.vector_load %arg14[%get3A_131] {strides = array<i32>} : memref<8256xf32, #tpu.memory_space<vmem>>, vector<16xf32>,
        %mul3A_133 = arith.mulf %gather3A_51, %get3A_126 : vector<16xf32>
        %mul3A_134 = arith.mulf %gather3A_52, %get3A_128 : vector<16xf32>
        %add3A_135 = arith.addf %mul3A_133, %mul3A_134 : vector<16xf32>
        %mul3A_136 = arith.mulf %gather3A_53, %get3A_130 : vector<16xf32>
        %add3A_137 = arith.addf %add3A_135, %mul3A_136 : vector<16xf32>
        %add3A_138 = arith.addf %gather3A_54, %get3A_132 : vector<16xf32>
        %mul3A_139 = arith.constant 2.000000e+00 : f32
        %mul3A_140 = vector.broadcast %mul3A_139 : f32 to vector<16xf32>
        %mul3A_141 = arith.mulf %mul3A_140, %add3A_137 : vector<16xf32>
        %sub3A_142 = arith.subf %add3A_138, %mul3A_141 : vector<16xf32>
        %add3A_143 = vector.broadcast %mul3A_124 : i32 to vector<16xi32>
        %add3A_144 = arith.addi %iota3A, %add3A_143 : vector<16xi32>
        %ge3A_145 = vector.broadcast %reduce_max3A_42 : i32 to vector<16xi32>
        %ge3A_146 = arith.cmpi sge, %add3A_144, %ge3A_145 : vector<16xi32>
        %lt3A_147 = vector.broadcast %reduce_max3A_50 : i32 to vector<16xi32>
        %lt3A_148 = arith.cmpi slt, %add3A_144, %lt3A_147 : vector<16xi32>
        %and3A_149 = arith.andi %ge3A_146, %lt3A_148 : vector<16xi1>
        %ne3A_150 = vector.broadcast %add3A_30 : i32 to vector<16xi32>
        %ne3A_151 = arith.cmpi ne, %add3A_144, %ne3A_150 : vector<16xi32>
        %and3A_152 = arith.andi %and3A_149, %ne3A_151 : vector<16xi1>
        %jit3A_153 = arith.constant 1.000000e+10 : f32
        %broadcast_in_dim3A_154 = vector.broadcast %jit3A_153 : f32 to vector<16xf32>
        %select_n3A_155 = arith.select %and3A_152, %sub3A_142, %broadcast_in_dim3A_154 : vector<16xi1>, vector<16xf32>
        %mul3A_156 = arith.constant 4 : i32
        %mul3A_157 = arith.muli %while3A_83, %mul3A_156 : i32
        %add3A_158 = arith.addi %div3A_55, %mul3A_157 : i32
        %add3A_159 = arith.constant 2 : i32
        %add3A_160 = arith.addi %add3A_158, %add3A_159 : i32
        %mul3A_161 = arith.constant 16 : i32
        %mul3A_162 = arith.muli %add3A_160, %mul3A_161 : i32
        %get3A_163 = arith.index_cast %mul3A_162 : i32 to index
        %get3A_164 = tpu.vector_load %arg11[%get3A_163] {strides = array<i32>} : memref<8256xf32, #tpu.memory_space<vmem>>, vector<16xf32>,
        %get3A_165 = arith.index_cast %mul3A_162 : i32 to index
        %get3A_166 = tpu.vector_load %arg12[%get3A_165] {strides = array<i32>} : memref<8256xf32, #tpu.memory_space<vmem>>, vector<16xf32>,
        %get3A_167 = arith.index_cast %mul3A_162 : i32 to index
        %get3A_168 = tpu.vector_load %arg13[%get3A_167] {strides = array<i32>} : memref<8256xf32, #tpu.memory_space<vmem>>, vector<16xf32>,
        %get3A_169 = arith.index_cast %mul3A_162 : i32 to index
        %get3A_170 = tpu.vector_load %arg14[%get3A_169] {strides = array<i32>} : memref<8256xf32, #tpu.memory_space<vmem>>, vector<16xf32>,
        %mul3A_171 = arith.mulf %gather3A_51, %get3A_164 : vector<16xf32>
        %mul3A_172 = arith.mulf %gather3A_52, %get3A_166 : vector<16xf32>
        %add3A_173 = arith.addf %mul3A_171, %mul3A_172 : vector<16xf32>
        %mul3A_174 = arith.mulf %gather3A_53, %get3A_168 : vector<16xf32>
        %add3A_175 = arith.addf %add3A_173, %mul3A_174 : vector<16xf32>
        %add3A_176 = arith.addf %gather3A_54, %get3A_170 : vector<16xf32>
        %mul3A_177 = arith.constant 2.000000e+00 : f32
        %mul3A_178 = vector.broadcast %mul3A_177 : f32 to vector<16xf32>
        %mul3A_179 = arith.mulf %mul3A_178, %add3A_175 : vector<16xf32>
        %sub3A_180 = arith.subf %add3A_176, %mul3A_179 : vector<16xf32>
        %add3A_181 = vector.broadcast %mul3A_162 : i32 to vector<16xi32>
        %add3A_182 = arith.addi %iota3A, %add3A_181 : vector<16xi32>
        %ge3A_183 = vector.broadcast %reduce_max3A_42 : i32 to vector<16xi32>
        %ge3A_184 = arith.cmpi sge, %add3A_182, %ge3A_183 : vector<16xi32>
        %lt3A_185 = vector.broadcast %reduce_max3A_50 : i32 to vector<16xi32>
        %lt3A_186 = arith.cmpi slt, %add3A_182, %lt3A_185 : vector<16xi32>
        %and3A_187 = arith.andi %ge3A_184, %lt3A_186 : vector<16xi1>
        %ne3A_188 = vector.broadcast %add3A_30 : i32 to vector<16xi32>
        %ne3A_189 = arith.cmpi ne, %add3A_182, %ne3A_188 : vector<16xi32>
        %and3A_190 = arith.andi %and3A_187, %ne3A_189 : vector<16xi1>
        %jit3A_191 = arith.constant 1.000000e+10 : f32
        %broadcast_in_dim3A_192 = vector.broadcast %jit3A_191 : f32 to vector<16xf32>
        %select_n3A_193 = arith.select %and3A_190, %sub3A_180, %broadcast_in_dim3A_192 : vector<16xi1>, vector<16xf32>
        %mul3A_194 = arith.constant 4 : i32
        %mul3A_195 = arith.muli %while3A_83, %mul3A_194 : i32
        %add3A_196 = arith.addi %div3A_55, %mul3A_195 : i32
        %add3A_197 = arith.constant 3 : i32
        %add3A_198 = arith.addi %add3A_196, %add3A_197 : i32
        %mul3A_199 = arith.constant 16 : i32
        %mul3A_200 = arith.muli %add3A_198, %mul3A_199 : i32
        %get3A_201 = arith.index_cast %mul3A_200 : i32 to index
        %get3A_202 = tpu.vector_load %arg11[%get3A_201] {strides = array<i32>} : memref<8256xf32, #tpu.memory_space<vmem>>, vector<16xf32>,
        %get3A_203 = arith.index_cast %mul3A_200 : i32 to index
        %get3A_204 = tpu.vector_load %arg12[%get3A_203] {strides = array<i32>} : memref<8256xf32, #tpu.memory_space<vmem>>, vector<16xf32>,
        %get3A_205 = arith.index_cast %mul3A_200 : i32 to index
        %get3A_206 = tpu.vector_load %arg13[%get3A_205] {strides = array<i32>} : memref<8256xf32, #tpu.memory_space<vmem>>, vector<16xf32>,
        %get3A_207 = arith.index_cast %mul3A_200 : i32 to index
        %get3A_208 = tpu.vector_load %arg14[%get3A_207] {strides = array<i32>} : memref<8256xf32, #tpu.memory_space<vmem>>, vector<16xf32>,
        %mul3A_209 = arith.mulf %gather3A_51, %get3A_202 : vector<16xf32>
        %mul3A_210 = arith.mulf %gather3A_52, %get3A_204 : vector<16xf32>
        %add3A_211 = arith.addf %mul3A_209, %mul3A_210 : vector<16xf32>
        %mul3A_212 = arith.mulf %gather3A_53, %get3A_206 : vector<16xf32>
        %add3A_213 = arith.addf %add3A_211, %mul3A_212 : vector<16xf32>
        %add3A_214 = arith.addf %gather3A_54, %get3A_208 : vector<16xf32>
        %mul3A_215 = arith.constant 2.000000e+00 : f32
        %mul3A_216 = vector.broadcast %mul3A_215 : f32 to vector<16xf32>
        %mul3A_217 = arith.mulf %mul3A_216, %add3A_213 : vector<16xf32>
        %sub3A_218 = arith.subf %add3A_214, %mul3A_217 : vector<16xf32>
        %add3A_219 = vector.broadcast %mul3A_200 : i32 to vector<16xi32>
        %add3A_220 = arith.addi %iota3A, %add3A_219 : vector<16xi32>
        %ge3A_221 = vector.broadcast %reduce_max3A_42 : i32 to vector<16xi32>
        %ge3A_222 = arith.cmpi sge, %add3A_220, %ge3A_221 : vector<16xi32>
        %lt3A_223 = vector.broadcast %reduce_max3A_50 : i32 to vector<16xi32>
        %lt3A_224 = arith.cmpi slt, %add3A_220, %lt3A_223 : vector<16xi32>
        %and3A_225 = arith.andi %ge3A_222, %lt3A_224 : vector<16xi1>
        %ne3A_226 = vector.broadcast %add3A_30 : i32 to vector<16xi32>
        %ne3A_227 = arith.cmpi ne, %add3A_220, %ne3A_226 : vector<16xi32>
        %and3A_228 = arith.andi %and3A_225, %ne3A_227 : vector<16xi1>
        %jit3A_229 = arith.constant 1.000000e+10 : f32
        %broadcast_in_dim3A_230 = vector.broadcast %jit3A_229 : f32 to vector<16xf32>
        %select_n3A_231 = arith.select %and3A_228, %sub3A_218, %broadcast_in_dim3A_230 : vector<16xi1>, vector<16xf32>
        %min3A = arith.minimumf %select_n3A, %select_n3A_155 : vector<16xf32>
        %min3A_232 = arith.minimumf %select_n3A_193, %select_n3A_231 : vector<16xf32>
        %min3A_233 = arith.minimumf %min3A, %min3A_232 : vector<16xf32>
        %reduce_min3A = arith.constant true
        %reduce_min3A_234 = vector.broadcast %reduce_min3A : i1 to vector<16xi1>
        %reduce_min3A_235 = tpu.scan <min>, %min3A_233 masked %reduce_min3A_234 : vector<16xf32>, vector<16xi1> -> vector<16xf32>
        %reduce_min3A_236 = vector.extract %reduce_min3A_235[15] : f32 from vector<16xf32>
        %lt3A_237 = arith.cmpf olt, %reduce_min3A_236, %while3A_86 : f32
        %convert_element_type3A = arith.extui %lt3A_237 : i1 to i32
        %cond3A = arith.constant 0 : i32
        %cond3A_238 = arith.cmpi ne, %convert_element_type3A, %cond3A : i32
        %cond3A_239:3 = scf.if %cond3A_238 -> (vector<16xf32>, vector<16xi32>, f32) {
          %reduce_min3A_240 = arith.constant true
          %reduce_min3A_241 = vector.broadcast %reduce_min3A_240 : i1 to vector<16xi1>
          %reduce_min3A_242 = tpu.scan <min>, %select_n3A masked %reduce_min3A_241 : vector<16xf32>, vector<16xi1> -> vector<16xf32>
          %reduce_min3A_243 = vector.extract %reduce_min3A_242[15] : f32 from vector<16xf32>
          %lt3A_244 = arith.cmpf olt, %reduce_min3A_243, %while3A_86 : f32
          %convert_element_type3A_245 = arith.extui %lt3A_244 : i1 to i32
          %cond3A_246 = arith.constant 0 : i32
          %cond3A_247 = arith.cmpi ne, %convert_element_type3A_245, %cond3A_246 : i32
          %cond3A_248:3 = scf.if %cond3A_247 -> (vector<16xf32>, vector<16xi32>, f32) {
            %masked_sort3A = arith.constant dense<true> : vector<16xi1>
            %masked_sort3A_276, %masked_sort3A_277, %masked_sort3A_278 = tpu.sort %select_n3A, %add3A_112 masked %masked_sort3A {descending = true} : (vector<16xf32>, vector<16xi32>, vector<16xi1>) -> (vector<16xi1>, vector<16xf32>, vector<16xi32>)
            %lt3A_279 = arith.cmpf olt, %masked_sort3A_277, %while3A_84 : vector<16xf32>
            %select_n3A_280 = arith.select %lt3A_279, %masked_sort3A_277, %while3A_84 : vector<16xi1>, vector<16xf32>
            %select_n3A_281 = arith.select %lt3A_279, %masked_sort3A_278, %while3A_85 : vector<16xi1>, vector<16xi32>
            %masked_sort3A_282 = arith.constant dense<true> : vector<16xi1>
            %masked_sort3A_283, %masked_sort3A_284, %masked_sort3A_285 = tpu.sort %select_n3A_280, %select_n3A_281 masked %masked_sort3A_282 : (vector<16xf32>, vector<16xi32>, vector<16xi1>) -> (vector<16xi1>, vector<16xf32>, vector<16xi32>)
            %reduce_max3A_286 = arith.constant true
            %reduce_max3A_287 = vector.broadcast %reduce_max3A_286 : i1 to vector<16xi1>
            %reduce_max3A_288 = tpu.scan <max>, %masked_sort3A_284 masked %reduce_max3A_287 : vector<16xf32>, vector<16xi1> -> vector<16xf32>
            %reduce_max3A_289 = vector.extract %reduce_max3A_288[15] : f32 from vector<16xf32>
            scf.yield %masked_sort3A_284, %masked_sort3A_285, %reduce_max3A_289 : vector<16xf32>, vector<16xi32>, f32
          } else {
            scf.yield %while3A_84, %while3A_85, %while3A_86 : vector<16xf32>, vector<16xi32>, f32
          }
          %reduce_min3A_249 = arith.constant true
          %reduce_min3A_250 = vector.broadcast %reduce_min3A_249 : i1 to vector<16xi1>
          %reduce_min3A_251 = tpu.scan <min>, %select_n3A_155 masked %reduce_min3A_250 : vector<16xf32>, vector<16xi1> -> vector<16xf32>
          %reduce_min3A_252 = vector.extract %reduce_min3A_251[15] : f32 from vector<16xf32>
          %lt3A_253 = arith.cmpf olt, %reduce_min3A_252, %cond3A_248#2 : f32
          %convert_element_type3A_254 = arith.extui %lt3A_253 : i1 to i32
          %cond3A_255 = arith.constant 0 : i32
          %cond3A_256 = arith.cmpi ne, %convert_element_type3A_254, %cond3A_255 : i32
          %cond3A_257:3 = scf.if %cond3A_256 -> (vector<16xf32>, vector<16xi32>, f32) {
            %masked_sort3A = arith.constant dense<true> : vector<16xi1>
            %masked_sort3A_276, %masked_sort3A_277, %masked_sort3A_278 = tpu.sort %select_n3A_155, %add3A_144 masked %masked_sort3A {descending = true} : (vector<16xf32>, vector<16xi32>, vector<16xi1>) -> (vector<16xi1>, vector<16xf32>, vector<16xi32>)
            %lt3A_279 = arith.cmpf olt, %masked_sort3A_277, %cond3A_248#0 : vector<16xf32>
            %select_n3A_280 = arith.select %lt3A_279, %masked_sort3A_277, %cond3A_248#0 : vector<16xi1>, vector<16xf32>
            %select_n3A_281 = arith.select %lt3A_279, %masked_sort3A_278, %cond3A_248#1 : vector<16xi1>, vector<16xi32>
            %masked_sort3A_282 = arith.constant dense<true> : vector<16xi1>
            %masked_sort3A_283, %masked_sort3A_284, %masked_sort3A_285 = tpu.sort %select_n3A_280, %select_n3A_281 masked %masked_sort3A_282 : (vector<16xf32>, vector<16xi32>, vector<16xi1>) -> (vector<16xi1>, vector<16xf32>, vector<16xi32>)
            %reduce_max3A_286 = arith.constant true
            %reduce_max3A_287 = vector.broadcast %reduce_max3A_286 : i1 to vector<16xi1>
            %reduce_max3A_288 = tpu.scan <max>, %masked_sort3A_284 masked %reduce_max3A_287 : vector<16xf32>, vector<16xi1> -> vector<16xf32>
            %reduce_max3A_289 = vector.extract %reduce_max3A_288[15] : f32 from vector<16xf32>
            scf.yield %masked_sort3A_284, %masked_sort3A_285, %reduce_max3A_289 : vector<16xf32>, vector<16xi32>, f32
          } else {
            scf.yield %cond3A_248#0, %cond3A_248#1, %cond3A_248#2 : vector<16xf32>, vector<16xi32>, f32
          }
          %reduce_min3A_258 = arith.constant true
          %reduce_min3A_259 = vector.broadcast %reduce_min3A_258 : i1 to vector<16xi1>
          %reduce_min3A_260 = tpu.scan <min>, %select_n3A_193 masked %reduce_min3A_259 : vector<16xf32>, vector<16xi1> -> vector<16xf32>
          %reduce_min3A_261 = vector.extract %reduce_min3A_260[15] : f32 from vector<16xf32>
          %lt3A_262 = arith.cmpf olt, %reduce_min3A_261, %cond3A_257#2 : f32
          %convert_element_type3A_263 = arith.extui %lt3A_262 : i1 to i32
          %cond3A_264 = arith.constant 0 : i32
          %cond3A_265 = arith.cmpi ne, %convert_element_type3A_263, %cond3A_264 : i32
          %cond3A_266:3 = scf.if %cond3A_265 -> (vector<16xf32>, vector<16xi32>, f32) {
            %masked_sort3A = arith.constant dense<true> : vector<16xi1>
            %masked_sort3A_276, %masked_sort3A_277, %masked_sort3A_278 = tpu.sort %select_n3A_193, %add3A_182 masked %masked_sort3A {descending = true} : (vector<16xf32>, vector<16xi32>, vector<16xi1>) -> (vector<16xi1>, vector<16xf32>, vector<16xi32>)
            %lt3A_279 = arith.cmpf olt, %masked_sort3A_277, %cond3A_257#0 : vector<16xf32>
            %select_n3A_280 = arith.select %lt3A_279, %masked_sort3A_277, %cond3A_257#0 : vector<16xi1>, vector<16xf32>
            %select_n3A_281 = arith.select %lt3A_279, %masked_sort3A_278, %cond3A_257#1 : vector<16xi1>, vector<16xi32>
            %masked_sort3A_282 = arith.constant dense<true> : vector<16xi1>
            %masked_sort3A_283, %masked_sort3A_284, %masked_sort3A_285 = tpu.sort %select_n3A_280, %select_n3A_281 masked %masked_sort3A_282 : (vector<16xf32>, vector<16xi32>, vector<16xi1>) -> (vector<16xi1>, vector<16xf32>, vector<16xi32>)
            %reduce_max3A_286 = arith.constant true
            %reduce_max3A_287 = vector.broadcast %reduce_max3A_286 : i1 to vector<16xi1>
            %reduce_max3A_288 = tpu.scan <max>, %masked_sort3A_284 masked %reduce_max3A_287 : vector<16xf32>, vector<16xi1> -> vector<16xf32>
            %reduce_max3A_289 = vector.extract %reduce_max3A_288[15] : f32 from vector<16xf32>
            scf.yield %masked_sort3A_284, %masked_sort3A_285, %reduce_max3A_289 : vector<16xf32>, vector<16xi32>, f32
          } else {
            scf.yield %cond3A_257#0, %cond3A_257#1, %cond3A_257#2 : vector<16xf32>, vector<16xi32>, f32
          }
          %reduce_min3A_267 = arith.constant true
          %reduce_min3A_268 = vector.broadcast %reduce_min3A_267 : i1 to vector<16xi1>
          %reduce_min3A_269 = tpu.scan <min>, %select_n3A_231 masked %reduce_min3A_268 : vector<16xf32>, vector<16xi1> -> vector<16xf32>
          %reduce_min3A_270 = vector.extract %reduce_min3A_269[15] : f32 from vector<16xf32>
          %lt3A_271 = arith.cmpf olt, %reduce_min3A_270, %cond3A_266#2 : f32
          %convert_element_type3A_272 = arith.extui %lt3A_271 : i1 to i32
          %cond3A_273 = arith.constant 0 : i32
          %cond3A_274 = arith.cmpi ne, %convert_element_type3A_272, %cond3A_273 : i32
          %cond3A_275:3 = scf.if %cond3A_274 -> (vector<16xf32>, vector<16xi32>, f32) {
            %masked_sort3A = arith.constant dense<true> : vector<16xi1>
            %masked_sort3A_276, %masked_sort3A_277, %masked_sort3A_278 = tpu.sort %select_n3A_231, %add3A_220 masked %masked_sort3A {descending = true} : (vector<16xf32>, vector<16xi32>, vector<16xi1>) -> (vector<16xi1>, vector<16xf32>, vector<16xi32>)
            %lt3A_279 = arith.cmpf olt, %masked_sort3A_277, %cond3A_266#0 : vector<16xf32>
            %select_n3A_280 = arith.select %lt3A_279, %masked_sort3A_277, %cond3A_266#0 : vector<16xi1>, vector<16xf32>
            %select_n3A_281 = arith.select %lt3A_279, %masked_sort3A_278, %cond3A_266#1 : vector<16xi1>, vector<16xi32>
            %masked_sort3A_282 = arith.constant dense<true> : vector<16xi1>
            %masked_sort3A_283, %masked_sort3A_284, %masked_sort3A_285 = tpu.sort %select_n3A_280, %select_n3A_281 masked %masked_sort3A_282 : (vector<16xf32>, vector<16xi32>, vector<16xi1>) -> (vector<16xi1>, vector<16xf32>, vector<16xi32>)
            %reduce_max3A_286 = arith.constant true
            %reduce_max3A_287 = vector.broadcast %reduce_max3A_286 : i1 to vector<16xi1>
            %reduce_max3A_288 = tpu.scan <max>, %masked_sort3A_284 masked %reduce_max3A_287 : vector<16xf32>, vector<16xi1> -> vector<16xf32>
            %reduce_max3A_289 = vector.extract %reduce_max3A_288[15] : f32 from vector<16xf32>
            scf.yield %masked_sort3A_284, %masked_sort3A_285, %reduce_max3A_289 : vector<16xf32>, vector<16xi32>, f32
          } else {
            scf.yield %cond3A_266#0, %cond3A_266#1, %cond3A_266#2 : vector<16xf32>, vector<16xi32>, f32
          }
          scf.yield %cond3A_275#0, %cond3A_275#1, %cond3A_275#2 : vector<16xf32>, vector<16xi32>, f32
        } else {
          scf.yield %while3A_84, %while3A_85, %while3A_86 : vector<16xf32>, vector<16xi32>, f32
        }
        scf.yield %cond3A_239#0, %cond3A_239#1, %cond3A_239#2 : vector<16xf32>, vector<16xi32>, f32
      }
      %swap3A = arith.index_cast %while3A_28 : i32 to index
      %swap3A_80 = arith.constant 0 : index
      %swap3A_81 = tpu.vector_load %arg17[%swap3A, %swap3A_80] {strides = array<i32>} : memref<256x16xi32, #tpu.memory_space<vmem>>, vector<16xi32>,
      tpu.vector_store %arg17[%swap3A, %swap3A_80], %while3A_79#1 {strides = array<i32>} : memref<256x16xi32, #tpu.memory_space<vmem>>, vector<16xi32>,
      %while3A_82 = arith.constant 0 : i32
      scf.yield %while3A_82 : i32
    }
    %while3A_26 = arith.constant 1 : i32
    %while3A_27 = scf.for %while3A_28 = %while3A_23 to %while3A_19 step %while3A_26 iter_args(%while3A_29 = %while3A_25) -> (i32)  : i32 {
      %add3A_30 = arith.addi %mul3A_2, %while3A_28 : i32
      %broadcast_in_dim3A = vector.broadcast %add3A_30 : i32 to vector<16xi32>
      %gather3A = tpu.vector_load_idx %arg15[%broadcast_in_dim3A] : memref<8192xi32, #tpu.memory_space<vmem>>[vector<16xi32>], vector<16xi32>,
      %gather3A_31 = tpu.vector_load_idx %arg16[%gather3A] : memref<16xi32, #tpu.memory_space<vmem>>[vector<16xi32>], vector<16xi32>,
      %add3A_32 = arith.constant 1 : i32
      %add3A_33 = vector.broadcast %add3A_32 : i32 to vector<16xi32>
      %add3A_34 = arith.addi %gather3A, %add3A_33 : vector<16xi32>
      %gather3A_35 = tpu.vector_load_idx %arg16[%add3A_34] : memref<16xi32, #tpu.memory_space<vmem>>[vector<16xi32>], vector<16xi32>,
      %reduce_max3A = arith.constant true
      %reduce_max3A_36 = vector.broadcast %reduce_max3A : i1 to vector<16xi1>
      %reduce_max3A_37 = arith.constant -2147483648 : i32
      %reduce_max3A_38 = vector.broadcast %reduce_max3A_37 : i32 to vector<16xi32>
      %reduce_max3A_39 = arith.xori %gather3A_31, %reduce_max3A_38 : vector<16xi32>
      %reduce_max3A_40 = tpu.scan <max>, %reduce_max3A_39 masked %reduce_max3A_36 : vector<16xi32>, vector<16xi1> -> vector<16xi32>
      %reduce_max3A_41 = arith.xori %reduce_max3A_40, %reduce_max3A_38 : vector<16xi32>
      %reduce_max3A_42 = vector.extract %reduce_max3A_41[15] : i32 from vector<16xi32>
      %reduce_max3A_43 = arith.constant true
      %reduce_max3A_44 = vector.broadcast %reduce_max3A_43 : i1 to vector<16xi1>
      %reduce_max3A_45 = arith.constant -2147483648 : i32
      %reduce_max3A_46 = vector.broadcast %reduce_max3A_45 : i32 to vector<16xi32>
      %reduce_max3A_47 = arith.xori %gather3A_35, %reduce_max3A_46 : vector<16xi32>
      %reduce_max3A_48 = tpu.scan <max>, %reduce_max3A_47 masked %reduce_max3A_44 : vector<16xi32>, vector<16xi1> -> vector<16xi32>
      %reduce_max3A_49 = arith.xori %reduce_max3A_48, %reduce_max3A_46 : vector<16xi32>
      %reduce_max3A_50 = vector.extract %reduce_max3A_49[15] : i32 from vector<16xi32>
      %gather3A_51 = tpu.vector_load_idx %arg11[%broadcast_in_dim3A] : memref<8256xf32, #tpu.memory_space<vmem>>[vector<16xi32>], vector<16xf32>,
      %gather3A_52 = tpu.vector_load_idx %arg12[%broadcast_in_dim3A] : memref<8256xf32, #tpu.memory_space<vmem>>[vector<16xi32>], vector<16xf32>,
      %gather3A_53 = tpu.vector_load_idx %arg13[%broadcast_in_dim3A] : memref<8256xf32, #tpu.memory_space<vmem>>[vector<16xi32>], vector<16xf32>,
      %gather3A_54 = tpu.vector_load_idx %arg14[%broadcast_in_dim3A] : memref<8256xf32, #tpu.memory_space<vmem>>[vector<16xi32>], vector<16xf32>,
      %div3A = arith.constant 16 : i32
      %div3A_55 = arith.divsi %reduce_max3A_42, %div3A : i32
      %add3A_56 = arith.constant 15 : i32
      %add3A_57 = arith.addi %reduce_max3A_50, %add3A_56 : i32
      %div3A_58 = arith.constant 16 : i32
      %div3A_59 = arith.divsi %add3A_57, %div3A_58 : i32
      %sub3A = arith.subi %div3A_59, %div3A_55 : i32
      %add3A_60 = arith.constant 3 : i32
      %add3A_61 = arith.addi %sub3A, %add3A_60 : i32
      %div3A_62 = arith.constant 4 : i32
      %div3A_63 = arith.divsi %add3A_61, %div3A_62 : i32
      %broadcast_in_dim3A_64 = arith.constant 3.000000e+38 : f32
      %broadcast_in_dim3A_65 = vector.broadcast %broadcast_in_dim3A_64 : f32 to vector<16xf32>
      %broadcast_in_dim3A_66 = arith.constant 0 : i32
      %broadcast_in_dim3A_67 = vector.broadcast %broadcast_in_dim3A_66 : i32 to vector<16xi32>
      %while3A_68 = arith.constant 0 : i32
      %while3A_69 = arith.constant 3.000000e+38 : f32
      %while3A_70 = arith.subi %div3A_63, %while3A_68 : i32
      %while3A_71 = arith.addi %while3A_68, %while3A_70 : i32
      %while3A_72 = arith.constant 1 : i32
      %while3A_73 = arith.divsi %while3A_70, %while3A_72 : i32
      %while3A_74 = arith.muli %while3A_73, %while3A_72 : i32
      %while3A_75 = arith.addi %while3A_68, %while3A_74 : i32
      %while3A_76 = arith.constant 1 : i32
      %while3A_77:3 = scf.for %while3A_83 = %while3A_68 to %while3A_75 step %while3A_76 iter_args(%while3A_84 = %broadcast_in_dim3A_65, %while3A_85 = %broadcast_in_dim3A_67, %while3A_86 = %while3A_69) -> (vector<16xf32>, vector<16xi32>, f32)  : i32 {
        %mul3A_87 = arith.constant 4 : i32
        %mul3A_88 = arith.muli %while3A_83, %mul3A_87 : i32
        %add3A_89 = arith.addi %div3A_55, %mul3A_88 : i32
        %add3A_90 = arith.constant 0 : i32
        %add3A_91 = arith.addi %add3A_89, %add3A_90 : i32
        %mul3A_92 = arith.constant 16 : i32
        %mul3A_93 = arith.muli %add3A_91, %mul3A_92 : i32
        %get3A = arith.index_cast %mul3A_93 : i32 to index
        %get3A_94 = tpu.vector_load %arg11[%get3A] {strides = array<i32>} : memref<8256xf32, #tpu.memory_space<vmem>>, vector<16xf32>,
        %get3A_95 = arith.index_cast %mul3A_93 : i32 to index
        %get3A_96 = tpu.vector_load %arg12[%get3A_95] {strides = array<i32>} : memref<8256xf32, #tpu.memory_space<vmem>>, vector<16xf32>,
        %get3A_97 = arith.index_cast %mul3A_93 : i32 to index
        %get3A_98 = tpu.vector_load %arg13[%get3A_97] {strides = array<i32>} : memref<8256xf32, #tpu.memory_space<vmem>>, vector<16xf32>,
        %get3A_99 = arith.index_cast %mul3A_93 : i32 to index
        %get3A_100 = tpu.vector_load %arg14[%get3A_99] {strides = array<i32>} : memref<8256xf32, #tpu.memory_space<vmem>>, vector<16xf32>,
        %mul3A_101 = arith.mulf %gather3A_51, %get3A_94 : vector<16xf32>
        %mul3A_102 = arith.mulf %gather3A_52, %get3A_96 : vector<16xf32>
        %add3A_103 = arith.addf %mul3A_101, %mul3A_102 : vector<16xf32>
        %mul3A_104 = arith.mulf %gather3A_53, %get3A_98 : vector<16xf32>
        %add3A_105 = arith.addf %add3A_103, %mul3A_104 : vector<16xf32>
        %add3A_106 = arith.addf %gather3A_54, %get3A_100 : vector<16xf32>
        %mul3A_107 = arith.constant 2.000000e+00 : f32
        %mul3A_108 = vector.broadcast %mul3A_107 : f32 to vector<16xf32>
        %mul3A_109 = arith.mulf %mul3A_108, %add3A_105 : vector<16xf32>
        %sub3A_110 = arith.subf %add3A_106, %mul3A_109 : vector<16xf32>
        %add3A_111 = vector.broadcast %mul3A_93 : i32 to vector<16xi32>
        %add3A_112 = arith.addi %iota3A, %add3A_111 : vector<16xi32>
        %ge3A = vector.broadcast %reduce_max3A_42 : i32 to vector<16xi32>
        %ge3A_113 = arith.cmpi sge, %add3A_112, %ge3A : vector<16xi32>
        %lt3A = vector.broadcast %reduce_max3A_50 : i32 to vector<16xi32>
        %lt3A_114 = arith.cmpi slt, %add3A_112, %lt3A : vector<16xi32>
        %and3A = arith.andi %ge3A_113, %lt3A_114 : vector<16xi1>
        %ne3A = vector.broadcast %add3A_30 : i32 to vector<16xi32>
        %ne3A_115 = arith.cmpi ne, %add3A_112, %ne3A : vector<16xi32>
        %and3A_116 = arith.andi %and3A, %ne3A_115 : vector<16xi1>
        %jit3A = arith.constant 1.000000e+10 : f32
        %broadcast_in_dim3A_117 = vector.broadcast %jit3A : f32 to vector<16xf32>
        %select_n3A = arith.select %and3A_116, %sub3A_110, %broadcast_in_dim3A_117 : vector<16xi1>, vector<16xf32>
        %mul3A_118 = arith.constant 4 : i32
        %mul3A_119 = arith.muli %while3A_83, %mul3A_118 : i32
        %add3A_120 = arith.addi %div3A_55, %mul3A_119 : i32
        %add3A_121 = arith.constant 1 : i32
        %add3A_122 = arith.addi %add3A_120, %add3A_121 : i32
        %mul3A_123 = arith.constant 16 : i32
        %mul3A_124 = arith.muli %add3A_122, %mul3A_123 : i32
        %get3A_125 = arith.index_cast %mul3A_124 : i32 to index
        %get3A_126 = tpu.vector_load %arg11[%get3A_125] {strides = array<i32>} : memref<8256xf32, #tpu.memory_space<vmem>>, vector<16xf32>,
        %get3A_127 = arith.index_cast %mul3A_124 : i32 to index
        %get3A_128 = tpu.vector_load %arg12[%get3A_127] {strides = array<i32>} : memref<8256xf32, #tpu.memory_space<vmem>>, vector<16xf32>,
        %get3A_129 = arith.index_cast %mul3A_124 : i32 to index
        %get3A_130 = tpu.vector_load %arg13[%get3A_129] {strides = array<i32>} : memref<8256xf32, #tpu.memory_space<vmem>>, vector<16xf32>,
        %get3A_131 = arith.index_cast %mul3A_124 : i32 to index
        %get3A_132 = tpu.vector_load %arg14[%get3A_131] {strides = array<i32>} : memref<8256xf32, #tpu.memory_space<vmem>>, vector<16xf32>,
        %mul3A_133 = arith.mulf %gather3A_51, %get3A_126 : vector<16xf32>
        %mul3A_134 = arith.mulf %gather3A_52, %get3A_128 : vector<16xf32>
        %add3A_135 = arith.addf %mul3A_133, %mul3A_134 : vector<16xf32>
        %mul3A_136 = arith.mulf %gather3A_53, %get3A_130 : vector<16xf32>
        %add3A_137 = arith.addf %add3A_135, %mul3A_136 : vector<16xf32>
        %add3A_138 = arith.addf %gather3A_54, %get3A_132 : vector<16xf32>
        %mul3A_139 = arith.constant 2.000000e+00 : f32
        %mul3A_140 = vector.broadcast %mul3A_139 : f32 to vector<16xf32>
        %mul3A_141 = arith.mulf %mul3A_140, %add3A_137 : vector<16xf32>
        %sub3A_142 = arith.subf %add3A_138, %mul3A_141 : vector<16xf32>
        %add3A_143 = vector.broadcast %mul3A_124 : i32 to vector<16xi32>
        %add3A_144 = arith.addi %iota3A, %add3A_143 : vector<16xi32>
        %ge3A_145 = vector.broadcast %reduce_max3A_42 : i32 to vector<16xi32>
        %ge3A_146 = arith.cmpi sge, %add3A_144, %ge3A_145 : vector<16xi32>
        %lt3A_147 = vector.broadcast %reduce_max3A_50 : i32 to vector<16xi32>
        %lt3A_148 = arith.cmpi slt, %add3A_144, %lt3A_147 : vector<16xi32>
        %and3A_149 = arith.andi %ge3A_146, %lt3A_148 : vector<16xi1>
        %ne3A_150 = vector.broadcast %add3A_30 : i32 to vector<16xi32>
        %ne3A_151 = arith.cmpi ne, %add3A_144, %ne3A_150 : vector<16xi32>
        %and3A_152 = arith.andi %and3A_149, %ne3A_151 : vector<16xi1>
        %jit3A_153 = arith.constant 1.000000e+10 : f32
        %broadcast_in_dim3A_154 = vector.broadcast %jit3A_153 : f32 to vector<16xf32>
        %select_n3A_155 = arith.select %and3A_152, %sub3A_142, %broadcast_in_dim3A_154 : vector<16xi1>, vector<16xf32>
        %mul3A_156 = arith.constant 4 : i32
        %mul3A_157 = arith.muli %while3A_83, %mul3A_156 : i32
        %add3A_158 = arith.addi %div3A_55, %mul3A_157 : i32
        %add3A_159 = arith.constant 2 : i32
        %add3A_160 = arith.addi %add3A_158, %add3A_159 : i32
        %mul3A_161 = arith.constant 16 : i32
        %mul3A_162 = arith.muli %add3A_160, %mul3A_161 : i32
        %get3A_163 = arith.index_cast %mul3A_162 : i32 to index
        %get3A_164 = tpu.vector_load %arg11[%get3A_163] {strides = array<i32>} : memref<8256xf32, #tpu.memory_space<vmem>>, vector<16xf32>,
        %get3A_165 = arith.index_cast %mul3A_162 : i32 to index
        %get3A_166 = tpu.vector_load %arg12[%get3A_165] {strides = array<i32>} : memref<8256xf32, #tpu.memory_space<vmem>>, vector<16xf32>,
        %get3A_167 = arith.index_cast %mul3A_162 : i32 to index
        %get3A_168 = tpu.vector_load %arg13[%get3A_167] {strides = array<i32>} : memref<8256xf32, #tpu.memory_space<vmem>>, vector<16xf32>,
        %get3A_169 = arith.index_cast %mul3A_162 : i32 to index
        %get3A_170 = tpu.vector_load %arg14[%get3A_169] {strides = array<i32>} : memref<8256xf32, #tpu.memory_space<vmem>>, vector<16xf32>,
        %mul3A_171 = arith.mulf %gather3A_51, %get3A_164 : vector<16xf32>
        %mul3A_172 = arith.mulf %gather3A_52, %get3A_166 : vector<16xf32>
        %add3A_173 = arith.addf %mul3A_171, %mul3A_172 : vector<16xf32>
        %mul3A_174 = arith.mulf %gather3A_53, %get3A_168 : vector<16xf32>
        %add3A_175 = arith.addf %add3A_173, %mul3A_174 : vector<16xf32>
        %add3A_176 = arith.addf %gather3A_54, %get3A_170 : vector<16xf32>
        %mul3A_177 = arith.constant 2.000000e+00 : f32
        %mul3A_178 = vector.broadcast %mul3A_177 : f32 to vector<16xf32>
        %mul3A_179 = arith.mulf %mul3A_178, %add3A_175 : vector<16xf32>
        %sub3A_180 = arith.subf %add3A_176, %mul3A_179 : vector<16xf32>
        %add3A_181 = vector.broadcast %mul3A_162 : i32 to vector<16xi32>
        %add3A_182 = arith.addi %iota3A, %add3A_181 : vector<16xi32>
        %ge3A_183 = vector.broadcast %reduce_max3A_42 : i32 to vector<16xi32>
        %ge3A_184 = arith.cmpi sge, %add3A_182, %ge3A_183 : vector<16xi32>
        %lt3A_185 = vector.broadcast %reduce_max3A_50 : i32 to vector<16xi32>
        %lt3A_186 = arith.cmpi slt, %add3A_182, %lt3A_185 : vector<16xi32>
        %and3A_187 = arith.andi %ge3A_184, %lt3A_186 : vector<16xi1>
        %ne3A_188 = vector.broadcast %add3A_30 : i32 to vector<16xi32>
        %ne3A_189 = arith.cmpi ne, %add3A_182, %ne3A_188 : vector<16xi32>
        %and3A_190 = arith.andi %and3A_187, %ne3A_189 : vector<16xi1>
        %jit3A_191 = arith.constant 1.000000e+10 : f32
        %broadcast_in_dim3A_192 = vector.broadcast %jit3A_191 : f32 to vector<16xf32>
        %select_n3A_193 = arith.select %and3A_190, %sub3A_180, %broadcast_in_dim3A_192 : vector<16xi1>, vector<16xf32>
        %mul3A_194 = arith.constant 4 : i32
        %mul3A_195 = arith.muli %while3A_83, %mul3A_194 : i32
        %add3A_196 = arith.addi %div3A_55, %mul3A_195 : i32
        %add3A_197 = arith.constant 3 : i32
        %add3A_198 = arith.addi %add3A_196, %add3A_197 : i32
        %mul3A_199 = arith.constant 16 : i32
        %mul3A_200 = arith.muli %add3A_198, %mul3A_199 : i32
        %get3A_201 = arith.index_cast %mul3A_200 : i32 to index
        %get3A_202 = tpu.vector_load %arg11[%get3A_201] {strides = array<i32>} : memref<8256xf32, #tpu.memory_space<vmem>>, vector<16xf32>,
        %get3A_203 = arith.index_cast %mul3A_200 : i32 to index
        %get3A_204 = tpu.vector_load %arg12[%get3A_203] {strides = array<i32>} : memref<8256xf32, #tpu.memory_space<vmem>>, vector<16xf32>,
        %get3A_205 = arith.index_cast %mul3A_200 : i32 to index
        %get3A_206 = tpu.vector_load %arg13[%get3A_205] {strides = array<i32>} : memref<8256xf32, #tpu.memory_space<vmem>>, vector<16xf32>,
        %get3A_207 = arith.index_cast %mul3A_200 : i32 to index
        %get3A_208 = tpu.vector_load %arg14[%get3A_207] {strides = array<i32>} : memref<8256xf32, #tpu.memory_space<vmem>>, vector<16xf32>,
        %mul3A_209 = arith.mulf %gather3A_51, %get3A_202 : vector<16xf32>
        %mul3A_210 = arith.mulf %gather3A_52, %get3A_204 : vector<16xf32>
        %add3A_211 = arith.addf %mul3A_209, %mul3A_210 : vector<16xf32>
        %mul3A_212 = arith.mulf %gather3A_53, %get3A_206 : vector<16xf32>
        %add3A_213 = arith.addf %add3A_211, %mul3A_212 : vector<16xf32>
        %add3A_214 = arith.addf %gather3A_54, %get3A_208 : vector<16xf32>
        %mul3A_215 = arith.constant 2.000000e+00 : f32
        %mul3A_216 = vector.broadcast %mul3A_215 : f32 to vector<16xf32>
        %mul3A_217 = arith.mulf %mul3A_216, %add3A_213 : vector<16xf32>
        %sub3A_218 = arith.subf %add3A_214, %mul3A_217 : vector<16xf32>
        %add3A_219 = vector.broadcast %mul3A_200 : i32 to vector<16xi32>
        %add3A_220 = arith.addi %iota3A, %add3A_219 : vector<16xi32>
        %ge3A_221 = vector.broadcast %reduce_max3A_42 : i32 to vector<16xi32>
        %ge3A_222 = arith.cmpi sge, %add3A_220, %ge3A_221 : vector<16xi32>
        %lt3A_223 = vector.broadcast %reduce_max3A_50 : i32 to vector<16xi32>
        %lt3A_224 = arith.cmpi slt, %add3A_220, %lt3A_223 : vector<16xi32>
        %and3A_225 = arith.andi %ge3A_222, %lt3A_224 : vector<16xi1>
        %ne3A_226 = vector.broadcast %add3A_30 : i32 to vector<16xi32>
        %ne3A_227 = arith.cmpi ne, %add3A_220, %ne3A_226 : vector<16xi32>
        %and3A_228 = arith.andi %and3A_225, %ne3A_227 : vector<16xi1>
        %jit3A_229 = arith.constant 1.000000e+10 : f32
        %broadcast_in_dim3A_230 = vector.broadcast %jit3A_229 : f32 to vector<16xf32>
        %select_n3A_231 = arith.select %and3A_228, %sub3A_218, %broadcast_in_dim3A_230 : vector<16xi1>, vector<16xf32>
        %min3A = arith.minimumf %select_n3A, %select_n3A_155 : vector<16xf32>
        %min3A_232 = arith.minimumf %select_n3A_193, %select_n3A_231 : vector<16xf32>
        %min3A_233 = arith.minimumf %min3A, %min3A_232 : vector<16xf32>
        %reduce_min3A = arith.constant true
        %reduce_min3A_234 = vector.broadcast %reduce_min3A : i1 to vector<16xi1>
        %reduce_min3A_235 = tpu.scan <min>, %min3A_233 masked %reduce_min3A_234 : vector<16xf32>, vector<16xi1> -> vector<16xf32>
        %reduce_min3A_236 = vector.extract %reduce_min3A_235[15] : f32 from vector<16xf32>
        %lt3A_237 = arith.cmpf olt, %reduce_min3A_236, %while3A_86 : f32
        %convert_element_type3A = arith.extui %lt3A_237 : i1 to i32
        %cond3A = arith.constant 0 : i32
        %cond3A_238 = arith.cmpi ne, %convert_element_type3A, %cond3A : i32
        %cond3A_239:3 = scf.if %cond3A_238 -> (vector<16xf32>, vector<16xi32>, f32) {
          %reduce_min3A_240 = arith.constant true
          %reduce_min3A_241 = vector.broadcast %reduce_min3A_240 : i1 to vector<16xi1>
          %reduce_min3A_242 = tpu.scan <min>, %select_n3A masked %reduce_min3A_241 : vector<16xf32>, vector<16xi1> -> vector<16xf32>
          %reduce_min3A_243 = vector.extract %reduce_min3A_242[15] : f32 from vector<16xf32>
          %lt3A_244 = arith.cmpf olt, %reduce_min3A_243, %while3A_86 : f32
          %convert_element_type3A_245 = arith.extui %lt3A_244 : i1 to i32
          %cond3A_246 = arith.constant 0 : i32
          %cond3A_247 = arith.cmpi ne, %convert_element_type3A_245, %cond3A_246 : i32
          %cond3A_248:3 = scf.if %cond3A_247 -> (vector<16xf32>, vector<16xi32>, f32) {
            %masked_sort3A = arith.constant dense<true> : vector<16xi1>
            %masked_sort3A_276, %masked_sort3A_277, %masked_sort3A_278 = tpu.sort %select_n3A, %add3A_112 masked %masked_sort3A {descending = true} : (vector<16xf32>, vector<16xi32>, vector<16xi1>) -> (vector<16xi1>, vector<16xf32>, vector<16xi32>)
            %lt3A_279 = arith.cmpf olt, %masked_sort3A_277, %while3A_84 : vector<16xf32>
            %select_n3A_280 = arith.select %lt3A_279, %masked_sort3A_277, %while3A_84 : vector<16xi1>, vector<16xf32>
            %select_n3A_281 = arith.select %lt3A_279, %masked_sort3A_278, %while3A_85 : vector<16xi1>, vector<16xi32>
            %masked_sort3A_282 = arith.constant dense<true> : vector<16xi1>
            %masked_sort3A_283, %masked_sort3A_284, %masked_sort3A_285 = tpu.sort %select_n3A_280, %select_n3A_281 masked %masked_sort3A_282 : (vector<16xf32>, vector<16xi32>, vector<16xi1>) -> (vector<16xi1>, vector<16xf32>, vector<16xi32>)
            %reduce_max3A_286 = arith.constant true
            %reduce_max3A_287 = vector.broadcast %reduce_max3A_286 : i1 to vector<16xi1>
            %reduce_max3A_288 = tpu.scan <max>, %masked_sort3A_284 masked %reduce_max3A_287 : vector<16xf32>, vector<16xi1> -> vector<16xf32>
            %reduce_max3A_289 = vector.extract %reduce_max3A_288[15] : f32 from vector<16xf32>
            scf.yield %masked_sort3A_284, %masked_sort3A_285, %reduce_max3A_289 : vector<16xf32>, vector<16xi32>, f32
          } else {
            scf.yield %while3A_84, %while3A_85, %while3A_86 : vector<16xf32>, vector<16xi32>, f32
          }
          %reduce_min3A_249 = arith.constant true
          %reduce_min3A_250 = vector.broadcast %reduce_min3A_249 : i1 to vector<16xi1>
          %reduce_min3A_251 = tpu.scan <min>, %select_n3A_155 masked %reduce_min3A_250 : vector<16xf32>, vector<16xi1> -> vector<16xf32>
          %reduce_min3A_252 = vector.extract %reduce_min3A_251[15] : f32 from vector<16xf32>
          %lt3A_253 = arith.cmpf olt, %reduce_min3A_252, %cond3A_248#2 : f32
          %convert_element_type3A_254 = arith.extui %lt3A_253 : i1 to i32
          %cond3A_255 = arith.constant 0 : i32
          %cond3A_256 = arith.cmpi ne, %convert_element_type3A_254, %cond3A_255 : i32
          %cond3A_257:3 = scf.if %cond3A_256 -> (vector<16xf32>, vector<16xi32>, f32) {
            %masked_sort3A = arith.constant dense<true> : vector<16xi1>
            %masked_sort3A_276, %masked_sort3A_277, %masked_sort3A_278 = tpu.sort %select_n3A_155, %add3A_144 masked %masked_sort3A {descending = true} : (vector<16xf32>, vector<16xi32>, vector<16xi1>) -> (vector<16xi1>, vector<16xf32>, vector<16xi32>)
            %lt3A_279 = arith.cmpf olt, %masked_sort3A_277, %cond3A_248#0 : vector<16xf32>
            %select_n3A_280 = arith.select %lt3A_279, %masked_sort3A_277, %cond3A_248#0 : vector<16xi1>, vector<16xf32>
            %select_n3A_281 = arith.select %lt3A_279, %masked_sort3A_278, %cond3A_248#1 : vector<16xi1>, vector<16xi32>
            %masked_sort3A_282 = arith.constant dense<true> : vector<16xi1>
            %masked_sort3A_283, %masked_sort3A_284, %masked_sort3A_285 = tpu.sort %select_n3A_280, %select_n3A_281 masked %masked_sort3A_282 : (vector<16xf32>, vector<16xi32>, vector<16xi1>) -> (vector<16xi1>, vector<16xf32>, vector<16xi32>)
            %reduce_max3A_286 = arith.constant true
            %reduce_max3A_287 = vector.broadcast %reduce_max3A_286 : i1 to vector<16xi1>
            %reduce_max3A_288 = tpu.scan <max>, %masked_sort3A_284 masked %reduce_max3A_287 : vector<16xf32>, vector<16xi1> -> vector<16xf32>
            %reduce_max3A_289 = vector.extract %reduce_max3A_288[15] : f32 from vector<16xf32>
            scf.yield %masked_sort3A_284, %masked_sort3A_285, %reduce_max3A_289 : vector<16xf32>, vector<16xi32>, f32
          } else {
            scf.yield %cond3A_248#0, %cond3A_248#1, %cond3A_248#2 : vector<16xf32>, vector<16xi32>, f32
          }
          %reduce_min3A_258 = arith.constant true
          %reduce_min3A_259 = vector.broadcast %reduce_min3A_258 : i1 to vector<16xi1>
          %reduce_min3A_260 = tpu.scan <min>, %select_n3A_193 masked %reduce_min3A_259 : vector<16xf32>, vector<16xi1> -> vector<16xf32>
          %reduce_min3A_261 = vector.extract %reduce_min3A_260[15] : f32 from vector<16xf32>
          %lt3A_262 = arith.cmpf olt, %reduce_min3A_261, %cond3A_257#2 : f32
          %convert_element_type3A_263 = arith.extui %lt3A_262 : i1 to i32
          %cond3A_264 = arith.constant 0 : i32
          %cond3A_265 = arith.cmpi ne, %convert_element_type3A_263, %cond3A_264 : i32
          %cond3A_266:3 = scf.if %cond3A_265 -> (vector<16xf32>, vector<16xi32>, f32) {
            %masked_sort3A = arith.constant dense<true> : vector<16xi1>
            %masked_sort3A_276, %masked_sort3A_277, %masked_sort3A_278 = tpu.sort %select_n3A_193, %add3A_182 masked %masked_sort3A {descending = true} : (vector<16xf32>, vector<16xi32>, vector<16xi1>) -> (vector<16xi1>, vector<16xf32>, vector<16xi32>)
            %lt3A_279 = arith.cmpf olt, %masked_sort3A_277, %cond3A_257#0 : vector<16xf32>
            %select_n3A_280 = arith.select %lt3A_279, %masked_sort3A_277, %cond3A_257#0 : vector<16xi1>, vector<16xf32>
            %select_n3A_281 = arith.select %lt3A_279, %masked_sort3A_278, %cond3A_257#1 : vector<16xi1>, vector<16xi32>
            %masked_sort3A_282 = arith.constant dense<true> : vector<16xi1>
            %masked_sort3A_283, %masked_sort3A_284, %masked_sort3A_285 = tpu.sort %select_n3A_280, %select_n3A_281 masked %masked_sort3A_282 : (vector<16xf32>, vector<16xi32>, vector<16xi1>) -> (vector<16xi1>, vector<16xf32>, vector<16xi32>)
            %reduce_max3A_286 = arith.constant true
            %reduce_max3A_287 = vector.broadcast %reduce_max3A_286 : i1 to vector<16xi1>
            %reduce_max3A_288 = tpu.scan <max>, %masked_sort3A_284 masked %reduce_max3A_287 : vector<16xf32>, vector<16xi1> -> vector<16xf32>
            %reduce_max3A_289 = vector.extract %reduce_max3A_288[15] : f32 from vector<16xf32>
            scf.yield %masked_sort3A_284, %masked_sort3A_285, %reduce_max3A_289 : vector<16xf32>, vector<16xi32>, f32
          } else {
            scf.yield %cond3A_257#0, %cond3A_257#1, %cond3A_257#2 : vector<16xf32>, vector<16xi32>, f32
          }
          %reduce_min3A_267 = arith.constant true
          %reduce_min3A_268 = vector.broadcast %reduce_min3A_267 : i1 to vector<16xi1>
          %reduce_min3A_269 = tpu.scan <min>, %select_n3A_231 masked %reduce_min3A_268 : vector<16xf32>, vector<16xi1> -> vector<16xf32>
          %reduce_min3A_270 = vector.extract %reduce_min3A_269[15] : f32 from vector<16xf32>
          %lt3A_271 = arith.cmpf olt, %reduce_min3A_270, %cond3A_266#2 : f32
          %convert_element_type3A_272 = arith.extui %lt3A_271 : i1 to i32
          %cond3A_273 = arith.constant 0 : i32
          %cond3A_274 = arith.cmpi ne, %convert_element_type3A_272, %cond3A_273 : i32
          %cond3A_275:3 = scf.if %cond3A_274 -> (vector<16xf32>, vector<16xi32>, f32) {
            %masked_sort3A = arith.constant dense<true> : vector<16xi1>
            %masked_sort3A_276, %masked_sort3A_277, %masked_sort3A_278 = tpu.sort %select_n3A_231, %add3A_220 masked %masked_sort3A {descending = true} : (vector<16xf32>, vector<16xi32>, vector<16xi1>) -> (vector<16xi1>, vector<16xf32>, vector<16xi32>)
            %lt3A_279 = arith.cmpf olt, %masked_sort3A_277, %cond3A_266#0 : vector<16xf32>
            %select_n3A_280 = arith.select %lt3A_279, %masked_sort3A_277, %cond3A_266#0 : vector<16xi1>, vector<16xf32>
            %select_n3A_281 = arith.select %lt3A_279, %masked_sort3A_278, %cond3A_266#1 : vector<16xi1>, vector<16xi32>
            %masked_sort3A_282 = arith.constant dense<true> : vector<16xi1>
            %masked_sort3A_283, %masked_sort3A_284, %masked_sort3A_285 = tpu.sort %select_n3A_280, %select_n3A_281 masked %masked_sort3A_282 : (vector<16xf32>, vector<16xi32>, vector<16xi1>) -> (vector<16xi1>, vector<16xf32>, vector<16xi32>)
            %reduce_max3A_286 = arith.constant true
            %reduce_max3A_287 = vector.broadcast %reduce_max3A_286 : i1 to vector<16xi1>
            %reduce_max3A_288 = tpu.scan <max>, %masked_sort3A_284 masked %reduce_max3A_287 : vector<16xf32>, vector<16xi1> -> vector<16xf32>
            %reduce_max3A_289 = vector.extract %reduce_max3A_288[15] : f32 from vector<16xf32>
            scf.yield %masked_sort3A_284, %masked_sort3A_285, %reduce_max3A_289 : vector<16xf32>, vector<16xi32>, f32
          } else {
            scf.yield %cond3A_266#0, %cond3A_266#1, %cond3A_266#2 : vector<16xf32>, vector<16xi32>, f32
          }
          scf.yield %cond3A_275#0, %cond3A_275#1, %cond3A_275#2 : vector<16xf32>, vector<16xi32>, f32
        } else {
          scf.yield %while3A_84, %while3A_85, %while3A_86 : vector<16xf32>, vector<16xi32>, f32
        }
        scf.yield %cond3A_239#0, %cond3A_239#1, %cond3A_239#2 : vector<16xf32>, vector<16xi32>, f32
      }
      %while3A_78 = arith.constant 1 : i32
      %while3A_79:3 = scf.for %while3A_83 = %while3A_75 to %while3A_71 step %while3A_78 iter_args(%while3A_84 = %while3A_77#0, %while3A_85 = %while3A_77#1, %while3A_86 = %while3A_77#2) -> (vector<16xf32>, vector<16xi32>, f32)  : i32 {
        %mul3A_87 = arith.constant 4 : i32
        %mul3A_88 = arith.muli %while3A_83, %mul3A_87 : i32
        %add3A_89 = arith.addi %div3A_55, %mul3A_88 : i32
        %add3A_90 = arith.constant 0 : i32
        %add3A_91 = arith.addi %add3A_89, %add3A_90 : i32
        %mul3A_92 = arith.constant 16 : i32
        %mul3A_93 = arith.muli %add3A_91, %mul3A_92 : i32
        %get3A = arith.index_cast %mul3A_93 : i32 to index
        %get3A_94 = tpu.vector_load %arg11[%get3A] {strides = array<i32>} : memref<8256xf32, #tpu.memory_space<vmem>>, vector<16xf32>,
        %get3A_95 = arith.index_cast %mul3A_93 : i32 to index
        %get3A_96 = tpu.vector_load %arg12[%get3A_95] {strides = array<i32>} : memref<8256xf32, #tpu.memory_space<vmem>>, vector<16xf32>,
        %get3A_97 = arith.index_cast %mul3A_93 : i32 to index
        %get3A_98 = tpu.vector_load %arg13[%get3A_97] {strides = array<i32>} : memref<8256xf32, #tpu.memory_space<vmem>>, vector<16xf32>,
        %get3A_99 = arith.index_cast %mul3A_93 : i32 to index
        %get3A_100 = tpu.vector_load %arg14[%get3A_99] {strides = array<i32>} : memref<8256xf32, #tpu.memory_space<vmem>>, vector<16xf32>,
        %mul3A_101 = arith.mulf %gather3A_51, %get3A_94 : vector<16xf32>
        %mul3A_102 = arith.mulf %gather3A_52, %get3A_96 : vector<16xf32>
        %add3A_103 = arith.addf %mul3A_101, %mul3A_102 : vector<16xf32>
        %mul3A_104 = arith.mulf %gather3A_53, %get3A_98 : vector<16xf32>
        %add3A_105 = arith.addf %add3A_103, %mul3A_104 : vector<16xf32>
        %add3A_106 = arith.addf %gather3A_54, %get3A_100 : vector<16xf32>
        %mul3A_107 = arith.constant 2.000000e+00 : f32
        %mul3A_108 = vector.broadcast %mul3A_107 : f32 to vector<16xf32>
        %mul3A_109 = arith.mulf %mul3A_108, %add3A_105 : vector<16xf32>
        %sub3A_110 = arith.subf %add3A_106, %mul3A_109 : vector<16xf32>
        %add3A_111 = vector.broadcast %mul3A_93 : i32 to vector<16xi32>
        %add3A_112 = arith.addi %iota3A, %add3A_111 : vector<16xi32>
        %ge3A = vector.broadcast %reduce_max3A_42 : i32 to vector<16xi32>
        %ge3A_113 = arith.cmpi sge, %add3A_112, %ge3A : vector<16xi32>
        %lt3A = vector.broadcast %reduce_max3A_50 : i32 to vector<16xi32>
        %lt3A_114 = arith.cmpi slt, %add3A_112, %lt3A : vector<16xi32>
        %and3A = arith.andi %ge3A_113, %lt3A_114 : vector<16xi1>
        %ne3A = vector.broadcast %add3A_30 : i32 to vector<16xi32>
        %ne3A_115 = arith.cmpi ne, %add3A_112, %ne3A : vector<16xi32>
        %and3A_116 = arith.andi %and3A, %ne3A_115 : vector<16xi1>
        %jit3A = arith.constant 1.000000e+10 : f32
        %broadcast_in_dim3A_117 = vector.broadcast %jit3A : f32 to vector<16xf32>
        %select_n3A = arith.select %and3A_116, %sub3A_110, %broadcast_in_dim3A_117 : vector<16xi1>, vector<16xf32>
        %mul3A_118 = arith.constant 4 : i32
        %mul3A_119 = arith.muli %while3A_83, %mul3A_118 : i32
        %add3A_120 = arith.addi %div3A_55, %mul3A_119 : i32
        %add3A_121 = arith.constant 1 : i32
        %add3A_122 = arith.addi %add3A_120, %add3A_121 : i32
        %mul3A_123 = arith.constant 16 : i32
        %mul3A_124 = arith.muli %add3A_122, %mul3A_123 : i32
        %get3A_125 = arith.index_cast %mul3A_124 : i32 to index
        %get3A_126 = tpu.vector_load %arg11[%get3A_125] {strides = array<i32>} : memref<8256xf32, #tpu.memory_space<vmem>>, vector<16xf32>,
        %get3A_127 = arith.index_cast %mul3A_124 : i32 to index
        %get3A_128 = tpu.vector_load %arg12[%get3A_127] {strides = array<i32>} : memref<8256xf32, #tpu.memory_space<vmem>>, vector<16xf32>,
        %get3A_129 = arith.index_cast %mul3A_124 : i32 to index
        %get3A_130 = tpu.vector_load %arg13[%get3A_129] {strides = array<i32>} : memref<8256xf32, #tpu.memory_space<vmem>>, vector<16xf32>,
        %get3A_131 = arith.index_cast %mul3A_124 : i32 to index
        %get3A_132 = tpu.vector_load %arg14[%get3A_131] {strides = array<i32>} : memref<8256xf32, #tpu.memory_space<vmem>>, vector<16xf32>,
        %mul3A_133 = arith.mulf %gather3A_51, %get3A_126 : vector<16xf32>
        %mul3A_134 = arith.mulf %gather3A_52, %get3A_128 : vector<16xf32>
        %add3A_135 = arith.addf %mul3A_133, %mul3A_134 : vector<16xf32>
        %mul3A_136 = arith.mulf %gather3A_53, %get3A_130 : vector<16xf32>
        %add3A_137 = arith.addf %add3A_135, %mul3A_136 : vector<16xf32>
        %add3A_138 = arith.addf %gather3A_54, %get3A_132 : vector<16xf32>
        %mul3A_139 = arith.constant 2.000000e+00 : f32
        %mul3A_140 = vector.broadcast %mul3A_139 : f32 to vector<16xf32>
        %mul3A_141 = arith.mulf %mul3A_140, %add3A_137 : vector<16xf32>
        %sub3A_142 = arith.subf %add3A_138, %mul3A_141 : vector<16xf32>
        %add3A_143 = vector.broadcast %mul3A_124 : i32 to vector<16xi32>
        %add3A_144 = arith.addi %iota3A, %add3A_143 : vector<16xi32>
        %ge3A_145 = vector.broadcast %reduce_max3A_42 : i32 to vector<16xi32>
        %ge3A_146 = arith.cmpi sge, %add3A_144, %ge3A_145 : vector<16xi32>
        %lt3A_147 = vector.broadcast %reduce_max3A_50 : i32 to vector<16xi32>
        %lt3A_148 = arith.cmpi slt, %add3A_144, %lt3A_147 : vector<16xi32>
        %and3A_149 = arith.andi %ge3A_146, %lt3A_148 : vector<16xi1>
        %ne3A_150 = vector.broadcast %add3A_30 : i32 to vector<16xi32>
        %ne3A_151 = arith.cmpi ne, %add3A_144, %ne3A_150 : vector<16xi32>
        %and3A_152 = arith.andi %and3A_149, %ne3A_151 : vector<16xi1>
        %jit3A_153 = arith.constant 1.000000e+10 : f32
        %broadcast_in_dim3A_154 = vector.broadcast %jit3A_153 : f32 to vector<16xf32>
        %select_n3A_155 = arith.select %and3A_152, %sub3A_142, %broadcast_in_dim3A_154 : vector<16xi1>, vector<16xf32>
        %mul3A_156 = arith.constant 4 : i32
        %mul3A_157 = arith.muli %while3A_83, %mul3A_156 : i32
        %add3A_158 = arith.addi %div3A_55, %mul3A_157 : i32
        %add3A_159 = arith.constant 2 : i32
        %add3A_160 = arith.addi %add3A_158, %add3A_159 : i32
        %mul3A_161 = arith.constant 16 : i32
        %mul3A_162 = arith.muli %add3A_160, %mul3A_161 : i32
        %get3A_163 = arith.index_cast %mul3A_162 : i32 to index
        %get3A_164 = tpu.vector_load %arg11[%get3A_163] {strides = array<i32>} : memref<8256xf32, #tpu.memory_space<vmem>>, vector<16xf32>,
        %get3A_165 = arith.index_cast %mul3A_162 : i32 to index
        %get3A_166 = tpu.vector_load %arg12[%get3A_165] {strides = array<i32>} : memref<8256xf32, #tpu.memory_space<vmem>>, vector<16xf32>,
        %get3A_167 = arith.index_cast %mul3A_162 : i32 to index
        %get3A_168 = tpu.vector_load %arg13[%get3A_167] {strides = array<i32>} : memref<8256xf32, #tpu.memory_space<vmem>>, vector<16xf32>,
        %get3A_169 = arith.index_cast %mul3A_162 : i32 to index
        %get3A_170 = tpu.vector_load %arg14[%get3A_169] {strides = array<i32>} : memref<8256xf32, #tpu.memory_space<vmem>>, vector<16xf32>,
        %mul3A_171 = arith.mulf %gather3A_51, %get3A_164 : vector<16xf32>
        %mul3A_172 = arith.mulf %gather3A_52, %get3A_166 : vector<16xf32>
        %add3A_173 = arith.addf %mul3A_171, %mul3A_172 : vector<16xf32>
        %mul3A_174 = arith.mulf %gather3A_53, %get3A_168 : vector<16xf32>
        %add3A_175 = arith.addf %add3A_173, %mul3A_174 : vector<16xf32>
        %add3A_176 = arith.addf %gather3A_54, %get3A_170 : vector<16xf32>
        %mul3A_177 = arith.constant 2.000000e+00 : f32
        %mul3A_178 = vector.broadcast %mul3A_177 : f32 to vector<16xf32>
        %mul3A_179 = arith.mulf %mul3A_178, %add3A_175 : vector<16xf32>
        %sub3A_180 = arith.subf %add3A_176, %mul3A_179 : vector<16xf32>
        %add3A_181 = vector.broadcast %mul3A_162 : i32 to vector<16xi32>
        %add3A_182 = arith.addi %iota3A, %add3A_181 : vector<16xi32>
        %ge3A_183 = vector.broadcast %reduce_max3A_42 : i32 to vector<16xi32>
        %ge3A_184 = arith.cmpi sge, %add3A_182, %ge3A_183 : vector<16xi32>
        %lt3A_185 = vector.broadcast %reduce_max3A_50 : i32 to vector<16xi32>
        %lt3A_186 = arith.cmpi slt, %add3A_182, %lt3A_185 : vector<16xi32>
        %and3A_187 = arith.andi %ge3A_184, %lt3A_186 : vector<16xi1>
        %ne3A_188 = vector.broadcast %add3A_30 : i32 to vector<16xi32>
        %ne3A_189 = arith.cmpi ne, %add3A_182, %ne3A_188 : vector<16xi32>
        %and3A_190 = arith.andi %and3A_187, %ne3A_189 : vector<16xi1>
        %jit3A_191 = arith.constant 1.000000e+10 : f32
        %broadcast_in_dim3A_192 = vector.broadcast %jit3A_191 : f32 to vector<16xf32>
        %select_n3A_193 = arith.select %and3A_190, %sub3A_180, %broadcast_in_dim3A_192 : vector<16xi1>, vector<16xf32>
        %mul3A_194 = arith.constant 4 : i32
        %mul3A_195 = arith.muli %while3A_83, %mul3A_194 : i32
        %add3A_196 = arith.addi %div3A_55, %mul3A_195 : i32
        %add3A_197 = arith.constant 3 : i32
        %add3A_198 = arith.addi %add3A_196, %add3A_197 : i32
        %mul3A_199 = arith.constant 16 : i32
        %mul3A_200 = arith.muli %add3A_198, %mul3A_199 : i32
        %get3A_201 = arith.index_cast %mul3A_200 : i32 to index
        %get3A_202 = tpu.vector_load %arg11[%get3A_201] {strides = array<i32>} : memref<8256xf32, #tpu.memory_space<vmem>>, vector<16xf32>,
        %get3A_203 = arith.index_cast %mul3A_200 : i32 to index
        %get3A_204 = tpu.vector_load %arg12[%get3A_203] {strides = array<i32>} : memref<8256xf32, #tpu.memory_space<vmem>>, vector<16xf32>,
        %get3A_205 = arith.index_cast %mul3A_200 : i32 to index
        %get3A_206 = tpu.vector_load %arg13[%get3A_205] {strides = array<i32>} : memref<8256xf32, #tpu.memory_space<vmem>>, vector<16xf32>,
        %get3A_207 = arith.index_cast %mul3A_200 : i32 to index
        %get3A_208 = tpu.vector_load %arg14[%get3A_207] {strides = array<i32>} : memref<8256xf32, #tpu.memory_space<vmem>>, vector<16xf32>,
        %mul3A_209 = arith.mulf %gather3A_51, %get3A_202 : vector<16xf32>
        %mul3A_210 = arith.mulf %gather3A_52, %get3A_204 : vector<16xf32>
        %add3A_211 = arith.addf %mul3A_209, %mul3A_210 : vector<16xf32>
        %mul3A_212 = arith.mulf %gather3A_53, %get3A_206 : vector<16xf32>
        %add3A_213 = arith.addf %add3A_211, %mul3A_212 : vector<16xf32>
        %add3A_214 = arith.addf %gather3A_54, %get3A_208 : vector<16xf32>
        %mul3A_215 = arith.constant 2.000000e+00 : f32
        %mul3A_216 = vector.broadcast %mul3A_215 : f32 to vector<16xf32>
        %mul3A_217 = arith.mulf %mul3A_216, %add3A_213 : vector<16xf32>
        %sub3A_218 = arith.subf %add3A_214, %mul3A_217 : vector<16xf32>
        %add3A_219 = vector.broadcast %mul3A_200 : i32 to vector<16xi32>
        %add3A_220 = arith.addi %iota3A, %add3A_219 : vector<16xi32>
        %ge3A_221 = vector.broadcast %reduce_max3A_42 : i32 to vector<16xi32>
        %ge3A_222 = arith.cmpi sge, %add3A_220, %ge3A_221 : vector<16xi32>
        %lt3A_223 = vector.broadcast %reduce_max3A_50 : i32 to vector<16xi32>
        %lt3A_224 = arith.cmpi slt, %add3A_220, %lt3A_223 : vector<16xi32>
        %and3A_225 = arith.andi %ge3A_222, %lt3A_224 : vector<16xi1>
        %ne3A_226 = vector.broadcast %add3A_30 : i32 to vector<16xi32>
        %ne3A_227 = arith.cmpi ne, %add3A_220, %ne3A_226 : vector<16xi32>
        %and3A_228 = arith.andi %and3A_225, %ne3A_227 : vector<16xi1>
        %jit3A_229 = arith.constant 1.000000e+10 : f32
        %broadcast_in_dim3A_230 = vector.broadcast %jit3A_229 : f32 to vector<16xf32>
        %select_n3A_231 = arith.select %and3A_228, %sub3A_218, %broadcast_in_dim3A_230 : vector<16xi1>, vector<16xf32>
        %min3A = arith.minimumf %select_n3A, %select_n3A_155 : vector<16xf32>
        %min3A_232 = arith.minimumf %select_n3A_193, %select_n3A_231 : vector<16xf32>
        %min3A_233 = arith.minimumf %min3A, %min3A_232 : vector<16xf32>
        %reduce_min3A = arith.constant true
        %reduce_min3A_234 = vector.broadcast %reduce_min3A : i1 to vector<16xi1>
        %reduce_min3A_235 = tpu.scan <min>, %min3A_233 masked %reduce_min3A_234 : vector<16xf32>, vector<16xi1> -> vector<16xf32>
        %reduce_min3A_236 = vector.extract %reduce_min3A_235[15] : f32 from vector<16xf32>
        %lt3A_237 = arith.cmpf olt, %reduce_min3A_236, %while3A_86 : f32
        %convert_element_type3A = arith.extui %lt3A_237 : i1 to i32
        %cond3A = arith.constant 0 : i32
        %cond3A_238 = arith.cmpi ne, %convert_element_type3A, %cond3A : i32
        %cond3A_239:3 = scf.if %cond3A_238 -> (vector<16xf32>, vector<16xi32>, f32) {
          %reduce_min3A_240 = arith.constant true
          %reduce_min3A_241 = vector.broadcast %reduce_min3A_240 : i1 to vector<16xi1>
          %reduce_min3A_242 = tpu.scan <min>, %select_n3A masked %reduce_min3A_241 : vector<16xf32>, vector<16xi1> -> vector<16xf32>
          %reduce_min3A_243 = vector.extract %reduce_min3A_242[15] : f32 from vector<16xf32>
          %lt3A_244 = arith.cmpf olt, %reduce_min3A_243, %while3A_86 : f32
          %convert_element_type3A_245 = arith.extui %lt3A_244 : i1 to i32
          %cond3A_246 = arith.constant 0 : i32
          %cond3A_247 = arith.cmpi ne, %convert_element_type3A_245, %cond3A_246 : i32
          %cond3A_248:3 = scf.if %cond3A_247 -> (vector<16xf32>, vector<16xi32>, f32) {
            %masked_sort3A = arith.constant dense<true> : vector<16xi1>
            %masked_sort3A_276, %masked_sort3A_277, %masked_sort3A_278 = tpu.sort %select_n3A, %add3A_112 masked %masked_sort3A {descending = true} : (vector<16xf32>, vector<16xi32>, vector<16xi1>) -> (vector<16xi1>, vector<16xf32>, vector<16xi32>)
            %lt3A_279 = arith.cmpf olt, %masked_sort3A_277, %while3A_84 : vector<16xf32>
            %select_n3A_280 = arith.select %lt3A_279, %masked_sort3A_277, %while3A_84 : vector<16xi1>, vector<16xf32>
            %select_n3A_281 = arith.select %lt3A_279, %masked_sort3A_278, %while3A_85 : vector<16xi1>, vector<16xi32>
            %masked_sort3A_282 = arith.constant dense<true> : vector<16xi1>
            %masked_sort3A_283, %masked_sort3A_284, %masked_sort3A_285 = tpu.sort %select_n3A_280, %select_n3A_281 masked %masked_sort3A_282 : (vector<16xf32>, vector<16xi32>, vector<16xi1>) -> (vector<16xi1>, vector<16xf32>, vector<16xi32>)
            %reduce_max3A_286 = arith.constant true
            %reduce_max3A_287 = vector.broadcast %reduce_max3A_286 : i1 to vector<16xi1>
            %reduce_max3A_288 = tpu.scan <max>, %masked_sort3A_284 masked %reduce_max3A_287 : vector<16xf32>, vector<16xi1> -> vector<16xf32>
            %reduce_max3A_289 = vector.extract %reduce_max3A_288[15] : f32 from vector<16xf32>
            scf.yield %masked_sort3A_284, %masked_sort3A_285, %reduce_max3A_289 : vector<16xf32>, vector<16xi32>, f32
          } else {
            scf.yield %while3A_84, %while3A_85, %while3A_86 : vector<16xf32>, vector<16xi32>, f32
          }
          %reduce_min3A_249 = arith.constant true
          %reduce_min3A_250 = vector.broadcast %reduce_min3A_249 : i1 to vector<16xi1>
          %reduce_min3A_251 = tpu.scan <min>, %select_n3A_155 masked %reduce_min3A_250 : vector<16xf32>, vector<16xi1> -> vector<16xf32>
          %reduce_min3A_252 = vector.extract %reduce_min3A_251[15] : f32 from vector<16xf32>
          %lt3A_253 = arith.cmpf olt, %reduce_min3A_252, %cond3A_248#2 : f32
          %convert_element_type3A_254 = arith.extui %lt3A_253 : i1 to i32
          %cond3A_255 = arith.constant 0 : i32
          %cond3A_256 = arith.cmpi ne, %convert_element_type3A_254, %cond3A_255 : i32
          %cond3A_257:3 = scf.if %cond3A_256 -> (vector<16xf32>, vector<16xi32>, f32) {
            %masked_sort3A = arith.constant dense<true> : vector<16xi1>
            %masked_sort3A_276, %masked_sort3A_277, %masked_sort3A_278 = tpu.sort %select_n3A_155, %add3A_144 masked %masked_sort3A {descending = true} : (vector<16xf32>, vector<16xi32>, vector<16xi1>) -> (vector<16xi1>, vector<16xf32>, vector<16xi32>)
            %lt3A_279 = arith.cmpf olt, %masked_sort3A_277, %cond3A_248#0 : vector<16xf32>
            %select_n3A_280 = arith.select %lt3A_279, %masked_sort3A_277, %cond3A_248#0 : vector<16xi1>, vector<16xf32>
            %select_n3A_281 = arith.select %lt3A_279, %masked_sort3A_278, %cond3A_248#1 : vector<16xi1>, vector<16xi32>
            %masked_sort3A_282 = arith.constant dense<true> : vector<16xi1>
            %masked_sort3A_283, %masked_sort3A_284, %masked_sort3A_285 = tpu.sort %select_n3A_280, %select_n3A_281 masked %masked_sort3A_282 : (vector<16xf32>, vector<16xi32>, vector<16xi1>) -> (vector<16xi1>, vector<16xf32>, vector<16xi32>)
            %reduce_max3A_286 = arith.constant true
            %reduce_max3A_287 = vector.broadcast %reduce_max3A_286 : i1 to vector<16xi1>
            %reduce_max3A_288 = tpu.scan <max>, %masked_sort3A_284 masked %reduce_max3A_287 : vector<16xf32>, vector<16xi1> -> vector<16xf32>
            %reduce_max3A_289 = vector.extract %reduce_max3A_288[15] : f32 from vector<16xf32>
            scf.yield %masked_sort3A_284, %masked_sort3A_285, %reduce_max3A_289 : vector<16xf32>, vector<16xi32>, f32
          } else {
            scf.yield %cond3A_248#0, %cond3A_248#1, %cond3A_248#2 : vector<16xf32>, vector<16xi32>, f32
          }
          %reduce_min3A_258 = arith.constant true
          %reduce_min3A_259 = vector.broadcast %reduce_min3A_258 : i1 to vector<16xi1>
          %reduce_min3A_260 = tpu.scan <min>, %select_n3A_193 masked %reduce_min3A_259 : vector<16xf32>, vector<16xi1> -> vector<16xf32>
          %reduce_min3A_261 = vector.extract %reduce_min3A_260[15] : f32 from vector<16xf32>
          %lt3A_262 = arith.cmpf olt, %reduce_min3A_261, %cond3A_257#2 : f32
          %convert_element_type3A_263 = arith.extui %lt3A_262 : i1 to i32
          %cond3A_264 = arith.constant 0 : i32
          %cond3A_265 = arith.cmpi ne, %convert_element_type3A_263, %cond3A_264 : i32
          %cond3A_266:3 = scf.if %cond3A_265 -> (vector<16xf32>, vector<16xi32>, f32) {
            %masked_sort3A = arith.constant dense<true> : vector<16xi1>
            %masked_sort3A_276, %masked_sort3A_277, %masked_sort3A_278 = tpu.sort %select_n3A_193, %add3A_182 masked %masked_sort3A {descending = true} : (vector<16xf32>, vector<16xi32>, vector<16xi1>) -> (vector<16xi1>, vector<16xf32>, vector<16xi32>)
            %lt3A_279 = arith.cmpf olt, %masked_sort3A_277, %cond3A_257#0 : vector<16xf32>
            %select_n3A_280 = arith.select %lt3A_279, %masked_sort3A_277, %cond3A_257#0 : vector<16xi1>, vector<16xf32>
            %select_n3A_281 = arith.select %lt3A_279, %masked_sort3A_278, %cond3A_257#1 : vector<16xi1>, vector<16xi32>
            %masked_sort3A_282 = arith.constant dense<true> : vector<16xi1>
            %masked_sort3A_283, %masked_sort3A_284, %masked_sort3A_285 = tpu.sort %select_n3A_280, %select_n3A_281 masked %masked_sort3A_282 : (vector<16xf32>, vector<16xi32>, vector<16xi1>) -> (vector<16xi1>, vector<16xf32>, vector<16xi32>)
            %reduce_max3A_286 = arith.constant true
            %reduce_max3A_287 = vector.broadcast %reduce_max3A_286 : i1 to vector<16xi1>
            %reduce_max3A_288 = tpu.scan <max>, %masked_sort3A_284 masked %reduce_max3A_287 : vector<16xf32>, vector<16xi1> -> vector<16xf32>
            %reduce_max3A_289 = vector.extract %reduce_max3A_288[15] : f32 from vector<16xf32>
            scf.yield %masked_sort3A_284, %masked_sort3A_285, %reduce_max3A_289 : vector<16xf32>, vector<16xi32>, f32
          } else {
            scf.yield %cond3A_257#0, %cond3A_257#1, %cond3A_257#2 : vector<16xf32>, vector<16xi32>, f32
          }
          %reduce_min3A_267 = arith.constant true
          %reduce_min3A_268 = vector.broadcast %reduce_min3A_267 : i1 to vector<16xi1>
          %reduce_min3A_269 = tpu.scan <min>, %select_n3A_231 masked %reduce_min3A_268 : vector<16xf32>, vector<16xi1> -> vector<16xf32>
          %reduce_min3A_270 = vector.extract %reduce_min3A_269[15] : f32 from vector<16xf32>
          %lt3A_271 = arith.cmpf olt, %reduce_min3A_270, %cond3A_266#2 : f32
          %convert_element_type3A_272 = arith.extui %lt3A_271 : i1 to i32
          %cond3A_273 = arith.constant 0 : i32
          %cond3A_274 = arith.cmpi ne, %convert_element_type3A_272, %cond3A_273 : i32
          %cond3A_275:3 = scf.if %cond3A_274 -> (vector<16xf32>, vector<16xi32>, f32) {
            %masked_sort3A = arith.constant dense<true> : vector<16xi1>
            %masked_sort3A_276, %masked_sort3A_277, %masked_sort3A_278 = tpu.sort %select_n3A_231, %add3A_220 masked %masked_sort3A {descending = true} : (vector<16xf32>, vector<16xi32>, vector<16xi1>) -> (vector<16xi1>, vector<16xf32>, vector<16xi32>)
            %lt3A_279 = arith.cmpf olt, %masked_sort3A_277, %cond3A_266#0 : vector<16xf32>
            %select_n3A_280 = arith.select %lt3A_279, %masked_sort3A_277, %cond3A_266#0 : vector<16xi1>, vector<16xf32>
            %select_n3A_281 = arith.select %lt3A_279, %masked_sort3A_278, %cond3A_266#1 : vector<16xi1>, vector<16xi32>
            %masked_sort3A_282 = arith.constant dense<true> : vector<16xi1>
            %masked_sort3A_283, %masked_sort3A_284, %masked_sort3A_285 = tpu.sort %select_n3A_280, %select_n3A_281 masked %masked_sort3A_282 : (vector<16xf32>, vector<16xi32>, vector<16xi1>) -> (vector<16xi1>, vector<16xf32>, vector<16xi32>)
            %reduce_max3A_286 = arith.constant true
            %reduce_max3A_287 = vector.broadcast %reduce_max3A_286 : i1 to vector<16xi1>
            %reduce_max3A_288 = tpu.scan <max>, %masked_sort3A_284 masked %reduce_max3A_287 : vector<16xf32>, vector<16xi1> -> vector<16xf32>
            %reduce_max3A_289 = vector.extract %reduce_max3A_288[15] : f32 from vector<16xf32>
            scf.yield %masked_sort3A_284, %masked_sort3A_285, %reduce_max3A_289 : vector<16xf32>, vector<16xi32>, f32
          } else {
            scf.yield %cond3A_266#0, %cond3A_266#1, %cond3A_266#2 : vector<16xf32>, vector<16xi32>, f32
          }
          scf.yield %cond3A_275#0, %cond3A_275#1, %cond3A_275#2 : vector<16xf32>, vector<16xi32>, f32
        } else {
          scf.yield %while3A_84, %while3A_85, %while3A_86 : vector<16xf32>, vector<16xi32>, f32
        }
        scf.yield %cond3A_239#0, %cond3A_239#1, %cond3A_239#2 : vector<16xf32>, vector<16xi32>, f32
      }
      %swap3A = arith.index_cast %while3A_28 : i32 to index
      %swap3A_80 = arith.constant 0 : index
      %swap3A_81 = tpu.vector_load %arg17[%swap3A, %swap3A_80] {strides = array<i32>} : memref<256x16xi32, #tpu.memory_space<vmem>>, vector<16xi32>,
      tpu.vector_store %arg17[%swap3A, %swap3A_80], %while3A_79#1 {strides = array<i32>} : memref<256x16xi32, #tpu.memory_space<vmem>>, vector<16xi32>,
      %while3A_82 = arith.constant 0 : i32
      scf.yield %while3A_82 : i32
    }
    "tpu.region"() ({
      %run_scoped3A = tpu.sem_alloc : memref<!tpu.dma_semaphore, #tpu.memory_space<semaphore_mem>>
      %dma_start3A = arith.constant 0 : i32
      %dma_start3A_28 = tpu.memref_slice %arg7[%mul3A_2, %dma_start3A] : memref<8192x16xi32, #tpu.memory_space<hbm>> -> memref<256x16xi32, #tpu.memory_space<hbm>>
      %dma_start3A_29 = arith.constant 0 : i32
      %dma_start3A_30 = tpu.memref_slice %arg7[%mul3A_2, %dma_start3A_29] : memref<8192x16xi32, #tpu.memory_space<hbm>> -> memref<256x16xi32, #tpu.memory_space<hbm>>
      tpu.enqueue_dma source(%arg17 : memref<256x16xi32, #tpu.memory_space<vmem>>) target(%dma_start3A_30 : memref<256x16xi32, #tpu.memory_space<hbm>>) target_semaphore(%run_scoped3A : memref<!tpu.dma_semaphore, #tpu.memory_space<semaphore_mem>>)
      %dma_wait3A = arith.constant 0 : i32
      %dma_wait3A_31 = tpu.memref_slice %arg7[%mul3A_2, %dma_wait3A] : memref<8192x16xi32, #tpu.memory_space<hbm>> -> memref<256x16xi32, #tpu.memory_space<hbm>>
      %dma_wait3A_32 = arith.constant 0 : i32
      %dma_wait3A_33 = tpu.memref_slice %arg7[%mul3A_2, %dma_wait3A_32] : memref<8192x16xi32, #tpu.memory_space<hbm>> -> memref<256x16xi32, #tpu.memory_space<hbm>>
      tpu.wait_dma2 semaphore(%run_scoped3A : memref<!tpu.dma_semaphore, #tpu.memory_space<semaphore_mem>>) src(%arg17 : memref<256x16xi32, #tpu.memory_space<vmem>>) dst(%dma_wait3A_33 : memref<256x16xi32, #tpu.memory_space<hbm>>)
      tpu.yield
    }) : () -> ()
    return
  }
}

</mosaic_0001>

<sc_bundles>
// kernel: kernel.3.cloned.1.call-start
scs
__scs_entry_jumppad:
0x0: {  	(pc) =	sbr.rel $0x88, $3  }
0x1: {  	(tag) =	ssettag $0x0;
	lr =	simm.s32 $0x1  }
0x2: {  	[smem:$0x3F9F] =	sst lr;
	_ =	strace $0xD0000000  }
0x3: {  	_ = 	snop  }
0x4: {  	_ = 	snop  }
0x5: {  	_ = 	snop  }
0x6: {  	_ = 	snop  }
0x7: {  	_ = 	snop  }
__scs_overlays_trampoline_lowered:
0x8: {  	[smem:$0x3FAE] =	sst s0  }
0x9: {  	[smem:$0x3FAF] =	sst s1  }
0xa: {  	[smem:$0x3FB0] =	sst s2  }
0xb: {  	[smem:$0x3FB1] =	sst s3  }
0xc: {  	[smem:$0x3FB2] =	sst s4  }
0xd: {  	[smem:$0x3FB3] =	sst s5  }
0xe: {  	[smem:$0x3FB4] =	sst s6  }
0xf: {  	[smem:$0x3FB5] =	sst s7  }
0x10: {  	[smem:$0x3FB6] =	sst s8  }
0x11: {  	[smem:$0x3FB7] =	sst s9;
	s0 =	simm.s32 @!p0 $0x0  }
0x12: {  	s1 =	sld [smem:$0x3F9D];
	s0 =	simm.s32 @p0 $0x1  }
0x13: {  	[smem:$0x3FB8] =	sst s0;
	s0 =	simm.s32 @!p1 $0x0  }
0x14: {  	s2 =	sld [smem:$0x3F9C];
	s0 =	simm.s32 @p1 $0x1  }
0x15: {  	[smem:$0x3FB9] =	sst s0;
	s0 =	simm.s32 @!p2 $0x0  }
0x16: {  	s3 =	sld [smem:$0x3FDB];
	s0 =	simm.s32 @p2 $0x1  }
0x17: {  	s4 =	simm.s32 $0x1BF5;
	[smem:$0x3FBB] =	sst s0  }
0x18: {  	s0 =	sld [smem:$0x3F9E];
	_ =	swait.ge [sflag:s4], $0x0  }
0x19: {  	s7 =	sld [smem:$0x3F9F]  }
0x1a: {  	s8 =	sadd.s32 $0xFFFFE003, lr  }
0x1b: {  	s9 =	sadd.s32 $0xFFFFFEF7, lr;
	s5 =	simm.s32 $0xFFFFFFFF;
	p2 =	slt.u32 s8, $0xFFFFF086  }
0x1c: {  	p1 =	slt.u32 s9, $0xF7A;
	s5 =	simm.s32 @!p2 $0x0  }
0x1d: {  	s5 =	simm.s32 @p1 $0x1;
	p0 =	seq.s32 s7, s2  }
0x1e: {  	s7 =	smul.u32 @!p0 $0xF7A, s2;
	p2 =	seq.s32 @!p0 s5, $0x0  }
0x1f: {  	s9 =	smul.u32 $0xF7A, s1;
	s8 =	simm.s32 @!p0 $0x1BF5;
	p2 =	por !p2, p0  }
0x20: {  	[sflag:s8] =	ssyncset.s32 @!p0 $0xFFFFF086;
	s6 =	sadd.s32 @!p0 s3, s7;
	s7 =	simm.s32 @!p0 $0x108  }
0x21: {  	s3 =	sadd.s32 s3, s9;
	s6 =	sadd.s32 @!p0 $0x88, s6;
	s7 =	simm.s32 @p2 $0x1082  }
0x22: {  	[simem:s7], [sflag:s8] =	dma.local @!p0 [hbm:s6], $0xF7A  }
0x23: {  	s9 =	sor.u32 $0xD0000000, s2;
	s6 =	simm.s32 $0x108;
	_ =	swait.ge @!p0 [sflag:s8], $0x0  }
0x24: {  	s3 =	sadd.s32 $0x88, s3;
	s6 =	simm.s32 @!p1 $0x1082;
	[sflag:s4] =	ssyncset.s32 $0xFFFFF086  }
0x25: {  	[simem:s6], [sflag:s4] =	dma.local [hbm:s3], $0xF7A  }
0x26: {  	[smem:$0x3F9F] =	sst s1;
	(tag) =	ssettag s2;
	_ =	strace s9  }
0x27: {  	s1 =	sld [smem:$0x3FAF]  }
0x28: {  	s2 =	sld [smem:$0x3FB0]  }
0x29: {  	s4 =	sld [smem:$0x3FB2]  }
0x2a: {  	p0 =	seq.s32 s5, $0x0;
	s5 =	sld [smem:$0x3FB3]  }
0x2b: {  	s6 =	sld [smem:$0x3FB4]  }
0x2c: {  	s7 =	sld [smem:$0x3FB5]  }
0x2d: {  	s3 =	simm.s32 $0x108;
	s8 =	sld [smem:$0x3FB6]  }
0x2e: {  	s3 =	simm.s32 @!p0 $0x1082;
	s9 =	sld [smem:$0x3FB7]  }
0x2f: {  	lr =	sadd.s32 s0, s3;
	s0 =	sld [smem:$0x3FAE]  }
0x30: {  	s3 =	sld [smem:$0x3FB1]  }
0x31: {  	[smem:$0x3FBA] =	sst s10  }
0x32: {  	s10 =	sld [smem:$0x3FB8];
	_ =	sdelay $0x3  }
0x33: {  	p0 =	seq.s32 s10, $0x1;
	s10 =	sld [smem:$0x3FBA];
	_ =	sdelay $0x3  }
0x34: {  	[smem:$0x3FBA] =	sst s10  }
0x35: {  	s10 =	sld [smem:$0x3FB9];
	_ =	sdelay $0x3  }
0x36: {  	p1 =	seq.s32 s10, $0x1;
	s10 =	sld [smem:$0x3FBA];
	_ =	sdelay $0x3  }
0x37: {  	[smem:$0x3FBA] =	sst s10  }
0x38: {  	s10 =	sld [smem:$0x3FBB]  }
0x39: {  	_ = 	snop;
	(pc) =	sbr.ind lr, $3  }
0x3a: {  	_ = 	snop  }
0x3b: {  	_ = 	snop  }
0x3c: {  	p2 =	seq.s32 s10, $0x1;
	s10 =	sld [smem:$0x3FBA]  }
0x3d: {  	_ =	shalt  }
0x3e: {  	_ =	shalt  }
0x3f: {  	_ =	shalt  }
0x40: {  	_ =	shalt  }
0x41: {  	_ =	shalt  }
0x42: {  	_ =	shalt  }
0x43: {  	_ =	shalt  }
0x44: {  	_ =	shalt  }
0x45: {  	_ =	shalt  }
0x46: {  	_ =	shalt  }
0x47: {  	_ =	shalt  }
0x48: {  	_ =	shalt  }
0x49: {  	_ =	shalt  }
0x4a: {  	_ =	shalt  }
0x4b: {  	_ =	shalt  }
0x4c: {  	_ =	shalt  }
0x4d: {  	_ =	shalt  }
0x4e: {  	_ =	shalt  }
0x4f: {  	_ =	shalt  }
0x50: {  	_ =	shalt  }
0x51: {  	_ =	shalt  }
0x52: {  	_ =	shalt  }
0x53: {  	_ =	shalt  }
0x54: {  	_ =	shalt  }
0x55: {  	_ =	shalt  }
0x56: {  	_ =	shalt  }
0x57: {  	_ =	shalt  }
0x58: {  	_ =	shalt  }
0x59: {  	_ =	shalt  }
0x5a: {  	_ =	shalt  }
0x5b: {  	_ =	shalt  }
0x5c: {  	_ =	shalt  }
0x5d: {  	_ =	shalt  }
0x5e: {  	_ =	shalt  }
0x5f: {  	_ =	shalt  }
0x60: {  	_ =	shalt  }
0x61: {  	_ =	shalt  }
0x62: {  	_ =	shalt  }
0x63: {  	_ =	shalt  }
0x64: {  	_ =	shalt  }
0x65: {  	_ =	shalt  }
0x66: {  	_ =	shalt  }
0x67: {  	_ =	shalt  }
0x68: {  	_ =	shalt  }
0x69: {  	_ =	shalt  }
0x6a: {  	_ =	shalt  }
0x6b: {  	_ =	shalt  }
0x6c: {  	_ =	shalt  }
0x6d: {  	_ =	shalt  }
0x6e: {  	_ =	shalt  }
0x6f: {  	_ =	shalt  }
0x70: {  	_ =	shalt  }
0x71: {  	_ =	shalt  }
0x72: {  	_ =	shalt  }
0x73: {  	_ =	shalt  }
0x74: {  	_ =	shalt  }
0x75: {  	_ =	shalt  }
0x76: {  	_ =	shalt  }
0x77: {  	_ =	shalt  }
0x78: {  	_ =	shalt  }
0x79: {  	_ =	shalt  }
0x7a: {  	_ =	shalt  }
0x7b: {  	_ =	shalt  }
0x7c: {  	_ =	shalt  }
0x7d: {  	_ =	shalt  }
0x7e: {  	_ =	shalt  }
0x7f: {  	_ =	shalt  }
0x80: {  	_ =	shalt  }
0x81: {  	_ =	shalt  }
0x82: {  	_ =	shalt  }
0x83: {  	_ =	shalt  }
0x84: {  	_ =	shalt  }
0x85: {  	_ =	shalt  }
0x86: {  	_ =	shalt  }
0x87: {  	_ =	shalt  }
.Lfunc_end0:
.L_simem_size_0:
called_computation_lowered:
.L_overlay_start_0:
0x88: {  	s2 =	sld [smem:$0x3FD9]  }
0x89: {  	s3 =	sld [smem:$0x3FFE];
	_ =	sdelay $0x1  }
0x8a: {  	s1 =	srdreg.scid  }
0x8b: {  	s0 =	sand.u32 $0x1, s1  }
0x8c: {  	s17 =	sshll.u32 s0, $0xA;
	s2 =	sadd.s32 s3, s2  }
0x8d: {  	s2 =	sadd.s32 s2, s17  }
0x8e: {  	[smem:$0x3FC6] =	sst s2  }
0x8f: {  	_ = 	snop  }
0x90: {  	s2 =	sld [smem:$0x3FD0];
	(tm) =	ssettm $0x1  }
0x91: {  	s18 =	sld [smem:$0x3FFB];
	_ =	sdelay $0x3  }
0x92: {  	_ =	strace s18  }
0x93: {  	s3 =	sld [smem:$0x3FFC];
	_ =	sdelay $0x3  }
0x94: {  	_ =	strace s3  }
0x95: {  	s3 =	sld [smem:$0x3FFD];
	_ =	sdelay $0x3  }
0x96: {  	_ =	strace s3  }
0x97: {  	_ =	strace $0x8FFFFFFF  }
0x98: {  	s19 =	sld [smem:$0x3FDB];
	_ =	sdelay $0x1  }
0x99: {  	s4 =	simm.s32 $_scs_section_size  }
0x9a: {  	s5 =	simm.s32 $_size__tile_overlayer_lowered;
	s6 =	simm.s32 $_tile_overlayer_lowered  }
0x9b: {  	s22 =	simm.s32 $0x1BFF;
	s21 =	sshll.u32 s6, $0x1;
	s3 =	sadd.s32 s4, s19  }
0x9c: {  	s7 =	simm.s32 $0x0;
	s20 =	sshll.u32 s5, $0x1;
	s5 =	sadd.s32 s21, s3  }
0x9d: {  	[timem:s7], [sflag:s22] =	dma.local [hbm:s5], s20  }
0x9e: {  	_ =	swait.ge [sflag:s22], s20  }
0x9f: {  	s4 =	ssub.s32 $0x0, s20;
	[sflag:s22] =	ssyncset.done $0x0  }
0xa0: {  	[sflag:s22] =	ssyncadd.s32 s4;
	_ =	sdelay $0x1  }
0xa1: {  	s23 =	simm.s32 $0x1B8B  }
0xa2: {  	_ =	swait.ge [sflag:s23], $0x1  }
0xa3: {  	[sflag:s23] =	ssyncset.done $0x0  }
0xa4: {  	s25 =	simm.s32 $0x1B8E;
	s24 =	sld [smem:$0x3FFE];
	[sflag:s23] =	ssyncadd.s32 $0xFFFFFFFF  }
0xa5: {  	s26 =	simm.s32 $execute0_lowered;
	[smem:$0x3FD2] =	sst s25  }
0xa6: {  	s5 =	sshll.u32 s26, $0x1;
	_ =	strace $0x80000046;
	[dreg:$0x1] =	wrdreg $0xFFFFFFFF  }
0xa7: {  	s28 =	simm.s32 $_size_execute0_lowered;
	s3 =	sadd.s32 s3, s5;
	[dreg:$0x0] =	wrdreg $0x0  }
0xa8: {  	s5 =	sshll.u32 s28, $0x1;
	[dreg:$0x2] =	wrdreg s3  }
0xa9: {  	[dreg:$0x3] =	wrdreg s5  }
0xaa: {  	[dreg:$0x4] =	wrdreg $0xC0  }
0xab: {  	_ =	task [dreg:s7], $0x5FFFF  }
0xac: {  	[dreg:$0x1] =	wrdreg $0xFFFFFFFF  }
0xad: {  	[dreg:$0x0] =	wrdreg $0x60  }
0xae: {  	[dreg:$0x2] =	wrdreg s24  }
0xaf: {  	[dreg:$0x3] =	wrdreg s2  }
0xb0: {  	[dreg:$0x4] =	wrdreg $0x9  }
0xb1: {  	_ =	task.clear_ibuf [dreg:s7], $0x5FFFF;
	_ =	strace $0x90000046  }
0xb2: {  	s29 =	simm.s32 $0x9;
	_ =	strace $0x80000048  }
0xb3: {  	_ =	swait.ge [sflag:s29], $0x1  }
0xb4: {  	[sflag:s29] =	ssyncadd.s32 $0xFFFFFFFF  }
0xb5: {  	_ =	strace $0x90000048  }
0xb6: {  	_ =	sfence  }
0xb7: {  	s30 =	sld [smem:$0x0];
	_ =	sdelay $0x2  }
0xb8: {  	s31 =	sshll.u32 s1, $0xD;
	s1 =	sshrl.u32 s1, $0x2  }
0xb9: {  	s3 =	sand.u32 $0x4000, s31;
	s1 =	sadd.s32 s1, s30  }
0xba: {  	s0 =	sor.u32 s3, s0;
	s1 =	sshll.u32 s1, $0x11  }
0xbb: {  	s0 =	sor.u32 s1, s0  }
0xbc: {  	s0 =	sadd.s32 $0x8F2B, s0  }
0xbd: {  	[sflag:s0] =	ssyncadd.remote.s32 $0x1  }
0xbe: {  	_ =	sfence.sel $0xFFFF  }
0xbf: {  	[dreg:$0x0] =	wrdreg $0xFFFFFFFF;
	(pc) =	sbr.abs _section_cstart, $3  }
0xc0: {  	[dreg:$0x1] =	wrdreg $0xFFFFFFFF  }
0xc1: {  	_ =	task.clear_ibuf [dreg:s7], $0x2FFFF;
	_ =	strace $0x9FFFFFFF  }
0xc2: {  	(tm) =	ssettm $0x7FFFFFFF  }
0xc3: {  	_ =	shalt  }
tec
execute0_lowered:
.L_overlay_start_1:
0x0: {  	(tag) =	ssettag $0x1  }
0x1: {  	s8 =	rddreg [dreg:$0x0]  }
0x2: {  	s2 =	rddreg [dreg:$0x1]  }
0x3: {  	s0 =	rddreg [dreg:$0x2];
	s4 =	srdreg.scid;
	s3 =	simm.s32 $0x0  }
0x4: {  	s1 =	stileid.u32;
	s12 =	simm.s32 $0x2000;
	s13 =	simm.s32 $0x4000  }
0x5: {  	s14 =	simm.s32 $0xE200;
	s15 =	simm.s32 $0x10200;
	s16 =	simm.s32 $0x6000  }
0x6: {  	s17 =	simm.s32 $0x8080;
	s18 =	simm.s32 $0xA100;
	s19 =	simm.s32 $0xC180  }
0x7: {  	s20 =	simm.s32 $0x10280;
	s21 =	simm.s32 $0x0;
	s7 =	sand.u32 $0x1, s4  }
0x8: {  	[smem:$0x7FF] =	sst s3;
	s5 =	sshll.u32 s1, $0x9;
	s4 =	sadd.s32 $0x1600, s8  }
.Ltmp0:
0x9: {  	s6 =	sshll.u32 s7, $0x8;
	_ =	strace $0x80000047;
	(pc) =	sbr.rel .LBB2_1-.Ltmp0, $4  }
0xa: {  	s10 =	ssub.s32 $0x2, s7;
	s7 =	sadd.s32 $0x1A00, s8;
	s5 =	sor.u32 s6, s5  }
0xb: {  	s6 =	sadd.s32 $0x1200, s8;
	s11 =	sshrl.u32 s10, $0x1;
	s9 =	sshll.u32 s5, $0x4  }
0xc: {  	s10 =	ssub.s32 s10, s11;
	s11 =	simm.s32 $0x1;
	s9 =	sadd.s32 s9, s8  }
0xd: {  	v0 =	vlaneseq.u32;
	s8 =	sadd.s32 $0xE00, s8;
	s10 =	smax.u32 s10, $0x1;
	s9 =	sadd.s32 $0x1E00, s9  }
.LBB2_11:
0xe: {  	s21 =	sadd.s32 $0x1, s21  }
0xf: {  	p0 =	sne.s32 s21, s10  }
.Ltmp1:
0x10: {  	_ = 	snop;
	(pc) =	sbr.rel @!p0 .LBB2_12-.Ltmp1, $4  }
0x11: {  	[hbm4b:s9+s3] =	stream.linear.scatter [tilespmem:s20], [sflag:$0x1], $0x8000, $0x38;
	[tilespmem:$0x18280] =	vst v63  }
0x12: {  	_ =	swait.ge [sflag:s11], $0x8000  }
0x13: {  	[sflag:s11] =	ssyncset.done $0x0  }
0x14: {  	[sflag:s11] =	ssyncadd.s32 $0xFFFF8000  }
.LBB2_1:
0x15: {  	[tilespmem:s3], [sflag:$0x1] =	stream.linear.gather [hbm4b:s4+s3], $0x2000, $0x38;
	[tilespmem:$0x18280] =	vst v63  }
0x16: {  	_ =	swait.ge [sflag:s11], $0x2000  }
0x17: {  	[sflag:s11] =	ssyncset.done $0x0  }
0x18: {  	[sflag:s11] =	ssyncadd.s32 $0xFFFFE000  }
0x19: {  	[tilespmem:s12], [sflag:$0x1] =	stream.linear.gather [hbm4b:s6+s3], $0x2000, $0x38;
	[tilespmem:$0x18280] =	vst v63  }
0x1a: {  	_ =	swait.ge [sflag:s11], $0x2000  }
0x1b: {  	[sflag:s11] =	ssyncset.done $0x0  }
0x1c: {  	[sflag:s11] =	ssyncadd.s32 $0xFFFFE000  }
0x1d: {  	[tilespmem:s13], [sflag:$0x1] =	stream.linear.gather [hbm4b:s2+s3], $0x2000, $0x38;
	[tilespmem:$0x18280] =	vst v63  }
0x1e: {  	_ =	swait.ge [sflag:s11], $0x2000  }
0x1f: {  	[sflag:s11] =	ssyncset.done $0x0  }
0x20: {  	[sflag:s11] =	ssyncadd.s32 $0xFFFFE000  }
0x21: {  	[tilespmem:s14], [sflag:$0x1] =	stream.linear.gather [hbm4b:s7+s3], $0x2000, $0x38;
	[tilespmem:$0x18280] =	vst v63  }
0x22: {  	_ =	swait.ge [sflag:s11], $0x2000  }
0x23: {  	[sflag:s11] =	ssyncset.done $0x0  }
0x24: {  	[sflag:s11] =	ssyncadd.s32 $0xFFFFE000  }
0x25: {  	[tilespmem:s15], [sflag:$0x1] =	stream.linear.gather [hbm4b:s8+s3], $0x80, $0x38;
	[tilespmem:$0x18280] =	vst v63  }
0x26: {  	_ =	swait.ge [sflag:s11], $0x80  }
0x27: {  	[sflag:s11] =	ssyncset.done $0x0  }
0x28: {  	s23 =	simm.s32 $0x0;
	[sflag:s11] =	ssyncadd.s32 $0xFFFFFF80  }
0x29: {  	v1 =	vld [tilespmem:s23+$0x0]  }
0x2a: {  	v2 =	vld [tilespmem:s23+$0x2000]  }
0x2b: {  	v5 =	vld [tilespmem:s23+$0x4000];
	_ =	sdelay $0x3  }
0x2c: {  	s22 =	simm.s32 $0x10;
	v4 =	vmul.f32 v1, v1;
	v6 =	vmul.f32 v2, v2;
	v7 =	vshrl.u32 v1, $0x10  }
0x2d: {  	v3 =	vld [tilespmem:s22+$0x0];
	v8 =	vshrl.u32 v2, $0x10;
	v9 =	vmul.f32 v5, v5;
	v10 =	vshrl.u32 v5, $0x10  }
0x2e: {  	v7 =	vand.u32 $0x1, v7;
	v8 =	vand.u32 $0x1, v8;
	v6 =	vadd.f32 v6, v4;
	v4 =	vld [tilespmem:s22+$0x2000]  }
0x2f: {  	v7 =	vadd.s32 v7, v1;
	v2 =	vadd.s32 v8, v2;
	v8 =	vand.u32 $0x1, v10  }
0x30: {  	v1 =	vld [tilespmem:s22+$0x4000];
	v7 =	vadd.s32 $0x7FFF, v7;
	v5 =	vadd.s32 v8, v5  }
0x31: {  	v2 =	vadd.s32 $0x7FFF, v2;
	v6 =	vadd.f32 v9, v6;
	v7 =	vand.u32 $0xFFFF0000, v7  }
0x32: {  	v8 =	vshrl.u32 v3, $0x10;
	v5 =	vadd.s32 $0x7FFF, v5;
	v10 =	vand.u32 $0xFFFF0000, v2;
	[tilespmem:s23+$0x6000] =	vst v7  }
0x33: {  	s24 =	simm.s32 $0x20;
	[tilespmem:s23+$0xC180] =	vst v6;
	v6 =	vmul.f32 v3, v3;
	v7 =	vshrl.u32 v4, $0x10;
	v9 =	vmul.f32 v4, v4  }
0x34: {  	s25 =	simm.s32 $0xC0;
	v8 =	vand.u32 $0x1, v8;
	v5 =	vand.u32 $0xFFFF0000, v5;
	v2 =	vld [tilespmem:s24+$0x0];
	[tilespmem:s23+$0x8080] =	vst v10;
	v7 =	vand.u32 $0x1, v7  }
.LBB2_2:
0x35: {  	p0 =	sne.s32 s25, $0x7FC0;
	v10 =	vld [tilespmem:s24+$0x2000];
	v6 =	vadd.f32 v9, v6;
	v9 =	vmul.f32 v1, v1;
	v11 =	vshrl.u32 v1, $0x10;
	[tilespmem:s23+$0xA100] =	vst v5;
	s23 =	smov.u32 s22;
	s22 =	smov.u32 s24  }
0x36: {  	v3 =	vadd.s32 v8, v3;
	v4 =	vadd.s32 v7, v4;
	v5 =	vand.u32 $0x1, v11  }
.Ltmp2:
0x37: {  	v12 =	vadd.s32 $0x7FFF, v3;
	v6 =	vadd.f32 v9, v6;
	v5 =	vadd.s32 v5, v1;
	v1 =	vld [tilespmem:s22+$0x4000];
	(pc) =	sbr.rel @p0 .LBB2_2-.Ltmp2, $4  }
0x38: {  	v7 =	vand.u32 $0xFFFF0000, v12;
	v9 =	vadd.s32 $0x7FFF, v4;
	v13 =	vadd.s32 $0x7FFF, v5  }
0x39: {  	v11 =	vand.u32 $0xFFFF0000, v9;
	v8 =	vshrl.u32 v2, $0x10;
	[tilespmem:s23+$0xC180] =	vst v6;
	v5 =	vand.u32 $0xFFFF0000, v13;
	v3 =	vmovc v2  }
0x3a: {  	s24 =	sshra.s32 s25, $0x2;
	v6 =	vmul.f32 v2, v3;
	v9 =	vmul.f32 v10, v10;
	v12 =	vshrl.u32 v10, $0x10;
	[tilespmem:s23+$0x6000] =	vst v7;
	v4 =	vmovc v10  }
0x3b: {  	s25 =	sadd.s32 $0x40, s25;
	v8 =	vand.u32 $0x1, v8;
	v2 =	vld [tilespmem:s24+$0x0];
	v7 =	vand.u32 $0x1, v12;
	[tilespmem:s23+$0x8080] =	vst v11  }
0x3c: {  	v10 =	vld [tilespmem:s24+$0x2000];
	v6 =	vadd.f32 v9, v6;
	[tilespmem:s23+$0xA100] =	vst v5;
	v54 =	vmul.f32 v1, v1  }
0x3d: {  	v55 =	vshrl.u32 v1, $0x10;
	v3 =	vadd.s32 v8, v3;
	v4 =	vadd.s32 v7, v4;
	v56 =	vld [tilespmem:s24+$0x4000]  }
0x3e: {  	v57 =	vand.u32 $0x1, v55;
	v3 =	vadd.s32 $0x7FFF, v3;
	v4 =	vadd.s32 $0x7FFF, v4  }
0x3f: {  	v5 =	vadd.f32 v54, v6;
	v1 =	vadd.s32 v57, v1;
	v3 =	vand.u32 $0xFFFF0000, v3  }
0x40: {  	v4 =	vand.u32 $0xFFFF0000, v4;
	v1 =	vadd.s32 $0x7FFF, v1;
	v58 =	vmul.f32 v2, v2  }
0x41: {  	v60 =	vshrl.u32 v2, $0x10;
	v1 =	vand.u32 $0xFFFF0000, v1;
	v59 =	vmul.f32 v10, v10  }
0x42: {  	[tilespmem:s22+$0x6000] =	vst v3;
	v61 =	vshrl.u32 v10, $0x10;
	v3 =	vand.u32 $0x1, v60;
	v62 =	vmul.f32 v56, v56  }
0x43: {  	[tilespmem:s22+$0xC180] =	vst v5;
	v5 =	vand.u32 $0x1, v61;
	v2 =	vadd.s32 v3, v2;
	v6 =	vadd.f32 v59, v58  }
0x44: {  	[tilespmem:s22+$0xA100] =	vst v1;
	v63 =	vshrl.u32 v56, $0x10;
	v1 =	vadd.s32 v5, v10;
	v2 =	vadd.s32 $0x7FFF, v2  }
.Ltmp3:
0x45: {  	[tilespmem:s22+$0x8080] =	vst v4;
	v4 =	vand.u32 $0x1, v63;
	v2 =	vand.u32 $0xFFFF0000, v2;
	v3 =	vadd.f32 v62, v6;
	(pc) =	sbr.rel .LBB2_4-.Ltmp3, $4  }
0x46: {  	v4 =	vadd.s32 v4, v56;
	v1 =	vadd.s32 $0x7FFF, v1;
	[tilespmem:s24+$0x6000] =	vst v2  }
0x47: {  	v1 =	vand.u32 $0xFFFF0000, v1;
	[tilespmem:s24+$0xC180] =	vst v3;
	v3 =	vadd.s32 $0x7FFF, v4  }
0x48: {  	[tilespmem:s24+$0x8080] =	vst v1;
	v2 =	vand.u32 $0xFFFF0000, v3  }
0x49: {  	s22 =	simm.s32 $0x0;
	[tilespmem:s24+$0xA100] =	vst v2  }
.LBB2_5:
0x4a: {  	v8 =	vimm.s32 $0x0  }
.LBB2_10:
0x4b: {  	s23 =	sshll.u32 s22, $0x7;
	s22 =	sadd.s32 $0x1, s22  }
0x4c: {  	p0 =	sne.s32 s22, $0x100  }
.Ltmp4:
0x4d: {  	_ = 	snop;
	(pc) =	sbr.rel @!p0 .LBB2_11-.Ltmp4, $3  }
0x4e: {  	_ =	sdelay $0x1  }
0x4f: {  	s23 =	sand.u32 $0x3FFFFF80, s23  }
0x50: {  	[tilespmem:s23+$0x10280] =	vst v8  }
.LBB2_4:
0x51: {  	s23 =	sor.u32 s5, s22  }
0x52: {  	v1 =	vmov s23;
	_ =	sdelay $0x4  }
0x53: {  	v2 =	vld.idx.msk [tilespmem:v1+s14+$0x0], $0xffff;
	_ =	sdelay $0x4  }
0x54: {  	v3 =	vadd.s32 $0x1, v2;
	_ =	sdelay $0x3  }
0x55: {  	v2 =	vld.idx.msk [tilespmem:v2+s15+$0x0], $0xffff  }
0x56: {  	v3 =	vld.idx.msk [tilespmem:v3+s15+$0x0], $0xffff;
	_ =	sdelay $0x3  }
0x57: {  	v2 =	vxor.u32 $0x80000000, v2  }
0x58: {  	(xrf0) =	vmax.scan.msk.u32 $0xffff, v2;
	v2 =	vxor.u32 $0x80000000, v3  }
0x59: {  	(xrf0) =	vmax.scan.msk.u32 $0xffff, v2;
	_ =	sdelay $0x4  }
0x5a: {  	v2, _, _ =	vpop (xrf0)  }
0x5b: {  	(v2sf) =	vpush v2, $0xF;
	v2, _, _ =	vpop (xrf0)  }
0x5c: {  	(v2sf) =	vpush v2, $0xF;
	_ =	sdelay $0xd  }
0x5d: {  	s30 =	spop (v2sf)  }
0x5e: {  	s24 =	spop (v2sf)  }
0x5f: {  	s25 =	sxor.u32 $0x80000000, s30;
	s31 =	sadd.s32 $0x8000000F, s24  }
0x60: {  	s26 =	sshra.s32 s25, $0x1F;
	s28 =	sshra.s32 s31, $0x1F  }
0x61: {  	s26 =	sshrl.u32 s26, $0x1C;
	s28 =	sshrl.u32 s28, $0x1C  }
0x62: {  	s26 =	sadd.s32 s26, s25;
	s23 =	sadd.s32 s28, s31  }
0x63: {  	s26 =	sshra.s32 s26, $0x4;
	s23 =	sshra.s32 s23, $0x4  }
0x64: {  	s23 =	ssub.s32 s23, s26  }
0x65: {  	p0 =	slt.s32 s23, $0x1  }
.Ltmp5:
0x66: {  	_ = 	snop;
	(pc) =	sbr.rel @p0 .LBB2_5-.Ltmp5, $1  }
0x67: {  	_ =	sdelay $0x3  }
0x68: {  	_ =	sdelay $0x2  }
.Ltmp6:
0x69: {  	_ = 	snop;
	(pc) =	sbr.rel .LBB2_7-.Ltmp6, $4  }
0x6a: {  	v2 =	vld.idx.msk [tilespmem:v1+s16+$0x0], $0xffff;
	s23 =	sadd.s32 $0x3, s23;
	s28 =	sshll.u32 s26, $0x6  }
0x6b: {  	v3 =	vld.idx.msk [tilespmem:v1+s17+$0x0], $0xffff;
	s29 =	sxor.u32 $0x80000000, s24;
	s24 =	sshll.u32 s26, $0x4;
	s30 =	sshra.s32 s28, $0x2  }
0x6c: {  	v4 =	vld.idx.msk [tilespmem:v1+s18+$0x0], $0xffff;
	v5 =	vmov s25;
	s23 =	sshrl.u32 s23, $0x2;
	s25 =	sadd.s32 $0xC1A0, s30;
	s26 =	sadd.s32 $0xA120, s30  }
0x6d: {  	v6 =	vld.idx.msk [tilespmem:v1+s19+$0x0], $0xffff;
	v9 =	vimm.f32 $3.000000010e+38;
	v8 =	vimm.s32 $0x0;
	v7 =	vmov s29;
	s28 =	sadd.s32 $0x80A0, s30;
	s29 =	sadd.s32 $0x6020, s30;
	s30 =	simm.f32 $3.000000010e+38  }
.LBB2_9:
0x6e: {  	s23 =	sadd.s32 $0xFFFFFFFF, s23  }
0x6f: {  	p0 =	sne.s32 s23, $0x0  }
.Ltmp7:
0x70: {  	_ = 	snop;
	(pc) =	sbr.rel @!p0 .LBB2_10-.Ltmp7, $3  }
0x71: {  	_ =	sdelay $0x1  }
0x72: {  	s24 =	sadd.s32 $0x40, s24;
	s25 =	sadd.s32 $0x40, s25  }
0x73: {  	s26 =	sadd.s32 $0x40, s26;
	s28 =	sadd.s32 $0x40, s28;
	s29 =	sadd.s32 $0x40, s29  }
.LBB2_7:
0x74: {  	v10 =	vld [tilespmem:s29+$0xFFFFFFE0]  }
0x75: {  	v11 =	vld [tilespmem:s28+$0xFFFFFFE0]  }
0x76: {  	v12 =	vld [tilespmem:s26+$0xFFFFFFE0]  }
0x77: {  	v13 =	vld [tilespmem:s29+$0xFFFFFFF0]  }
0x78: {  	v14 =	vld [tilespmem:s28+$0xFFFFFFF0]  }
0x79: {  	v15 =	vld [tilespmem:s25+$0xFFFFFFE0]  }
0x7a: {  	v16 =	vld [tilespmem:s26+$0xFFFFFFF0];
	v10 =	vmul.f32 v10, v2;
	v11 =	vmul.f32 v11, v3  }
0x7b: {  	v18 =	vld [tilespmem:s29+$0x0]  }
0x7c: {  	v19 =	vld [tilespmem:s28+$0x10];
	v10 =	vadd.f32 v11, v10;
	v11 =	vmul.f32 v12, v4  }
0x7d: {  	v17 =	vld [tilespmem:s25+$0xFFFFFFF0];
	v12 =	vmul.f32 v13, v2;
	v13 =	vmul.f32 v14, v3  }
0x7e: {  	v14 =	vld [tilespmem:s28+$0x0];
	v10 =	vadd.f32 v11, v10  }
0x7f: {  	v16 =	vmul.f32 v16, v4;
	v11 =	vld [tilespmem:s29+$0x10];
	v13 =	vadd.f32 v13, v12  }
0x80: {  	v15 =	vadd.f32 v15, v6;
	v18 =	vmul.f32 v18, v2;
	v10 =	vadd.f32 v10, v10  }
0x81: {  	v19 =	vmul.f32 v19, v3;
	v12 =	vor.u32 s24, v0;
	v13 =	vadd.f32 v16, v13;
	v16 =	vld [tilespmem:s26+$0x0]  }
0x82: {  	vm0 =	vge.s32 v12, v5;
	v10 =	vsub.f32 v15, v10;
	v15 =	vadd.f32 v17, v6;
	v17 =	vld [tilespmem:s26+$0x10]  }
0x83: {  	vm1 =	vlt.s32 v12, v7;
	v14 =	vmul.f32 v14, v3;
	v13 =	vadd.f32 v13, v13  }
0x84: {  	s31 =	sadd.s32 $0x10, s24;
	vm7 =	vne.s32 v12, v1;
	vm0 =	vmand vm0, vm1;
	v11 =	vmul.f32 v11, v2  }
0x85: {  	v18 =	vadd.f32 v14, v18;
	v14 =	vor.u32 s31, v0;
	v13 =	vsub.f32 v15, v13;
	v15 =	vld [tilespmem:s25+$0x0]  }
0x86: {  	v21 =	vld [tilespmem:s25+$0x10];
	vm0 =	vmand vm7, vm0;
	vm8 =	vge.s32 v14, v5;
	v20 =	vmul.f32 v16, v4  }
0x87: {  	vm2 =	vlt.s32 v14, v7;
	v19 =	vadd.f32 v19, v11;
	v17 =	vmul.f32 v17, v4  }
0x88: {  	s31 =	sadd.s32 $0x20, s24;
	vm10 =	vne.s32 v14, v1;
	v16 =	vnsel vm0, $0x501502F9, v10;
	v10 =	vadd.f32 v20, v18  }
0x89: {  	vm9 =	vmand vm8, vm2;
	v11 =	vor.u32 s31, v0;
	v17 =	vadd.f32 v17, v19  }
0x8a: {  	vm11 =	vge.s32 v11, v5;
	v15 =	vadd.f32 v15, v6;
	v10 =	vadd.f32 v10, v10  }
0x8b: {  	s31 =	sadd.s32 $0x30, s24;
	vm3 =	vlt.s32 v11, v7;
	vm5 =	vne.s32 v11, v1;
	v18 =	vadd.f32 v21, v6  }
0x8c: {  	v17 =	vadd.f32 v17, v17;
	v15 =	vsub.f32 v15, v10;
	v10 =	vor.u32 s31, v0  }
0x8d: {  	vm2 =	vmand vm11, vm3;
	vm12 =	vge.s32 v10, v5;
	vm4 =	vlt.s32 v10, v7  }
0x8e: {  	vm13 =	vne.s32 v10, v1;
	v18 =	vsub.f32 v18, v17;
	vm3 =	vmand vm12, vm4  }
0x8f: {  	vm0 =	vmand vm10, vm9;
	vm14 =	vmand vm5, vm2;
	vm15 =	vmand vm13, vm3  }
0x90: {  	v17 =	vnsel vm0, $0x501502F9, v13;
	v15 =	vnsel vm14, $0x501502F9, v15;
	v13 =	vnsel vm15, $0x501502F9, v18  }
0x91: {  	v18 =	vmin.f32 v16, v17;
	v19 =	vmin.f32 v15, v13  }
0x92: {  	v18 =	vmin.f32 v18, v19  }
0x93: {  	(xrf0) =	vmin.scan.msk.f32 $0xffff, v18;
	_ =	sdelay $0x5  }
0x94: {  	v18, _, _ =	vpop (xrf0)  }
0x95: {  	(v2sf) =	vpush v18, $0xF;
	_ =	sdelay $0xe  }
0x96: {  	s31 =	spop (v2sf)  }
0x97: {  	p0 =	slt.f32 s31, s30  }
.Ltmp8:
0x98: {  	_ = 	snop;
	(pc) =	sbr.rel @!p0 .LBB2_9-.Ltmp8, $1  }
0x99: {  	_ =	sdelay $0x3  }
0x9a: {  	(xrf0) =	vmin.scan.msk.f32 $0xffff, v16;
	_ =	sdelay $0x5  }
0x9b: {  	v18, _, _ =	vpop (xrf0)  }
0x9c: {  	(v2sf) =	vpush v18, $0xF;
	_ =	sdelay $0xe  }
0x9d: {  	s31 =	spop (v2sf)  }
0x9e: {  	p1 =	slt.f32 s31, s30;
	_ =	sdelay $0x1  }
0x9f: {  	(xrf1) =	vsort.dscd.msk.f32 @p1 $0xffff, v16, v12;
	_ =	sdelay $0xd  }
0xa0: {  	v12, v16, _ =	vpop @p1 (xrf1)  }
0xa1: {  	vm0 =	vlt.f32 @p1 v12, v9  }
0xa2: {  	v12 =	vsel @p1 vm0, v12, v9;
	v16 =	vsel @p1 vm0, v16, v8  }
0xa3: {  	(xrf1) =	vsort.ascd.msk.f32 @p1 $0xffff, v12, v16;
	_ =	sdelay $0xd  }
0xa4: {  	v12, v16, _ =	vpop @p1 (xrf1)  }
0xa5: {  	(xrf0) =	vmax.scan.msk.f32 @p1 $0xffff, v12  }
0xa6: {  	(xrf0) =	vmin.scan.msk.f32 $0xffff, v17;
	_ =	sdelay $0x4  }
0xa7: {  	v18, _, _ =	vpop @p1 (xrf0)  }
0xa8: {  	(v2sf) =	vpush @p1 v18, $0xF;
	v61, _, _ =	vpop (xrf0)  }
0xa9: {  	(v2sf) =	vpush v61, $0xF;
	_ =	sdelay $0xd  }
0xaa: {  	s31 =	spop @p1 (v2sf)  }
0xab: {  	s30 =	smov.u32 @p1 s31;
	s31 =	spop (v2sf)  }
0xac: {  	p0 =	slt.f32 s31, s30;
	_ =	sdelay $0x1  }
0xad: {  	(xrf1) =	vsort.dscd.msk.f32 @p0 $0xffff, v17, v14;
	_ =	sdelay $0xd  }
0xae: {  	v9 =	vpsel p1, v12, v9;
	v12, v14, _ =	vpop @p0 (xrf1)  }
0xaf: {  	v8 =	vpsel p1, v16, v8;
	vm0 =	vlt.f32 @p0 v12, v9  }
0xb0: {  	v12 =	vsel @p0 vm0, v12, v9;
	v14 =	vsel @p0 vm0, v14, v8  }
0xb1: {  	(xrf1) =	vsort.ascd.msk.f32 @p0 $0xffff, v12, v14;
	_ =	sdelay $0xd  }
0xb2: {  	v12, v14, _ =	vpop @p0 (xrf1)  }
0xb3: {  	(xrf0) =	vmax.scan.msk.f32 @p0 $0xffff, v12  }
0xb4: {  	(xrf0) =	vmin.scan.msk.f32 $0xffff, v15;
	_ =	sdelay $0x4  }
0xb5: {  	v16, _, _ =	vpop @p0 (xrf0)  }
0xb6: {  	(v2sf) =	vpush @p0 v16, $0xF;
	v62, _, _ =	vpop (xrf0)  }
0xb7: {  	(v2sf) =	vpush v62, $0xF;
	_ =	sdelay $0xd  }
0xb8: {  	s31 =	spop @p0 (v2sf)  }
0xb9: {  	s30 =	smov.u32 @p0 s31;
	s31 =	spop (v2sf)  }
0xba: {  	p1 =	slt.f32 s31, s30;
	_ =	sdelay $0x1  }
0xbb: {  	(xrf1) =	vsort.dscd.msk.f32 @p1 $0xffff, v15, v11;
	_ =	sdelay $0xd  }
0xbc: {  	v9 =	vpsel p0, v12, v9;
	v11, v12, _ =	vpop @p1 (xrf1)  }
0xbd: {  	v8 =	vpsel p0, v14, v8;
	vm0 =	vlt.f32 @p1 v11, v9  }
0xbe: {  	v11 =	vsel @p1 vm0, v11, v9;
	v12 =	vsel @p1 vm0, v12, v8  }
0xbf: {  	(xrf1) =	vsort.ascd.msk.f32 @p1 $0xffff, v11, v12;
	_ =	sdelay $0xd  }
0xc0: {  	v11, v12, _ =	vpop @p1 (xrf1)  }
0xc1: {  	(xrf0) =	vmax.scan.msk.f32 @p1 $0xffff, v11  }
0xc2: {  	(xrf0) =	vmin.scan.msk.f32 $0xffff, v13;
	_ =	sdelay $0x4  }
0xc3: {  	v14, _, _ =	vpop @p1 (xrf0)  }
0xc4: {  	(v2sf) =	vpush @p1 v14, $0xF;
	v63, _, _ =	vpop (xrf0)  }
0xc5: {  	(v2sf) =	vpush v63, $0xF;
	_ =	sdelay $0xd  }
0xc6: {  	s31 =	spop @p1 (v2sf)  }
0xc7: {  	s30 =	smov.u32 @p1 s31;
	s31 =	spop (v2sf)  }
0xc8: {  	p0 =	slt.f32 s31, s30;
	_ =	sdelay $0x1  }
0xc9: {  	(xrf1) =	vsort.dscd.msk.f32 @p0 $0xffff, v13, v10;
	_ =	sdelay $0xd  }
0xca: {  	v9 =	vpsel p1, v11, v9;
	v10, v11, _ =	vpop @p0 (xrf1)  }
0xcb: {  	v8 =	vpsel p1, v12, v8;
	vm0 =	vlt.f32 @p0 v10, v9  }
0xcc: {  	v10 =	vsel @p0 vm0, v10, v9;
	v11 =	vsel @p0 vm0, v11, v8  }
0xcd: {  	(xrf1) =	vsort.ascd.msk.f32 @p0 $0xffff, v10, v11;
	_ =	sdelay $0xd  }
0xce: {  	v10, v11, _ =	vpop @p0 (xrf1)  }
0xcf: {  	(xrf0) =	vmax.scan.msk.f32 @p0 $0xffff, v10;
	_ =	sdelay $0x5  }
0xd0: {  	v12, _, _ =	vpop @p0 (xrf0)  }
0xd1: {  	(v2sf) =	vpush @p0 v12, $0xF;
	_ =	sdelay $0xb  }
.Ltmp9:
0xd2: {  	_ = 	snop;
	(pc) =	sbr.rel .LBB2_9-.Ltmp9, $3  }
0xd3: {  	_ =	sdelay $0x1  }
0xd4: {  	s31 =	spop @p0 (v2sf)  }
0xd5: {  	v9 =	vpsel p0, v10, v9;
	v8 =	vpsel p0, v11, v8;
	s30 =	smov.u32 @p0 s31  }
.LBB2_12:
0xd6: {  	_ =	sfence.sel $0x180000  }
0xd7: {  	[bflag:$0x0] =	sbarrier.arrive $0xFFFF  }
0xd8: {  	p0 =	sne.s32 s1, $0x0;
	_ =	strace $0x90000047  }
0xd9: {  	s0 =	sadd.s32 @!p0 $0x100000, s0;
	[bflag:$0x2] =	sbarrier.arrive $0xFFFF  }
0xda: {  	[sflag:s0] =	ssyncadd.tile.s32 @!p0 $0x1;
	_ =	shalt  }
.Lfunc_end2:
_tile_overlayer_lowered:
.L_overlay_start_2:
0xdb: {  	(tag) =	ssettag $0x2  }
0xdc: {  	s0 =	rddreg [dreg:$0x0];
	s2 =	stileid.u32  }
0xdd: {  	s1 =	rddreg [dreg:$0x1];
	p0 =	sne.s32 s2, $0x0  }
0xde: {  	s3 =	rddreg [dreg:$0x2];
	[bflag:$0x3] =	sbarrier.arrive $0xFFFF;
	s2 =	simm.s32 @!p0 $0x1C01  }
0xdf: {  	[timem:s3], [sflag:s2] =	dma.local @!p0 [hbm:s0], s1  }
0xe0: {  	s0 =	simm.s32 @!p0 $0x1  }
0xe1: {  	_ =	swait.ge @!p0 [sflag:s0], s1  }
0xe2: {  	s1 =	ssub.s32 @!p0 $0x0, s1;
	[sflag:s0] =	ssyncset.done @!p0 $0x0  }
0xe3: {  	[sflag:s0] =	ssyncadd.s32 @!p0 s1  }
0xe4: {  	[bflag:$0x3] =	sbarrier.arrive $0xFFFF  }
0xe5: {  	_ =	shalt  }

</sc_bundles>
